<compile_context>
chip_gen: v7x
topology: tpu7x:2x2x1
jax: 0.10.2.dev20260603
libtpu: 0.0.44.dev20260713+nightly
codegen_flags: <defaults>
</compile_context>

<pallas_src>
import functools

import jax
import jax.numpy as jnp
from jax import lax
from jax.experimental import pallas as pl
from jax.experimental.pallas import tpu as pltpu
from jax.experimental.pallas import tpu_sc as plsc

B, N, C, H, K = 1, 2048, 768, 12, 512
HD = C // H
RB = 512
PR = N // RB
SCALE = HD ** -0.5
F32 = jnp.float32


def _dot(a, b, prec=None):
    return lax.dot_general(a, b, (((1,), (0,)), ((), ())),
                           preferred_element_type=F32, precision=prec)


def _dot_nt(a, b, prec=None):
    return lax.dot_general(a, b, (((1,), (1,)), ((), ())),
                           preferred_element_type=F32, precision=prec)


def _argmin_t(t, embed, base, keep_lane):
    rown = _dot_nt(jnp.ones((1, HD), F32), t * t, lax.Precision.HIGHEST)
    norm2 = jnp.sum(embed * embed, axis=1, keepdims=True)
    score = rown - 2.0 * _dot_nt(embed, t) + norm2
    mind = jnp.min(score, axis=0, keepdims=True)
    kio = lax.broadcasted_iota(jnp.int32, score.shape, 0)
    idx = jnp.min(jnp.where(score == mind, kio, K), axis=0, keepdims=True)
    mse = jnp.sum(jnp.where(keep_lane, mind, 0.0))
    return idx + base, mse


def _stage1(x_ref, w_ref, qe_ref, ke_ref,
            q_out, k_out, v_out, iq_out, ik_out, mseq_ref, msek_ref):
    t = pl.program_id(0)
    h = pl.program_id(1)

    @pl.when((t == 0) & (h == 0))
    def _init():
        mseq_ref[0, 0] = 0.0
        msek_ref[0, 0] = 0.0

    x_blk = x_ref[...]
    q = _dot_nt(x_blk, w_ref[pl.ds(h * HD, HD), :])
    k = _dot_nt(x_blk, w_ref[pl.ds(C + h * HD, HD), :])
    v = _dot_nt(x_blk, w_ref[pl.ds(2 * C + h * HD, HD), :])
    q_out[0] = q
    k_out[0] = k
    v_out[0] = v
    keep = (t * RB + lax.broadcasted_iota(jnp.int32, (1, RB), 1)) > 0
    iq, mq = _argmin_t(q, qe_ref[h], h * K, keep)
    ik, mk = _argmin_t(k, ke_ref[h], (H + h) * K, keep)
    iq_out[0] = iq
    ik_out[0] = ik
    mseq_ref[0, 0] += mq
    msek_ref[0, 0] += mk


def _make_sc_gather():
    info = plsc.get_sparse_core_info()
    nw = info.num_cores * info.num_subcores
    rows_total = 2 * H * N
    gb = rows_total // nw
    cw = 128
    chunks = gb // cw
    mesh = plsc.VectorSubcoreMesh(core_axis_name="c", subcore_axis_name="s")

    @functools.partial(
        pl.kernel, mesh=mesh,
        compiler_params=pltpu.CompilerParams(use_tc_tiling_on_sc=False),
        out_type=jax.ShapeDtypeStruct((rows_total, HD), F32),
        scratch_types=[
            pltpu.VMEM((chunks, cw), jnp.int32),
            pltpu.VMEM((gb, HD), F32),
            pltpu.SemaphoreType.DMA,
        ],
    )
    def sc_gather(table_hbm, idx_hbm, out_hbm, idx_v, rows_v, sem):
        wid = lax.axis_index("s") * info.num_cores + lax.axis_index("c")
        pltpu.sync_copy(idx_hbm.at[wid], idx_v)
        copies = [
            pltpu.async_copy(table_hbm.at[idx_v.at[j]],
                             rows_v.at[pl.ds(j * cw, cw)], sem)
            for j in range(chunks)
        ]
        for c in copies:
            c.wait()
        pltpu.sync_copy(rows_v, out_hbm.at[pl.ds(wid * gb, gb)])

    return sc_gather, (nw, chunks, cw)


def _stage3(q_ref, k_ref, v_ref, qq_ref, qk_ref, wp_ref,
            out_ref, kl_ref, e_s, catk_s):
    h = pl.program_id(0)
    t = pl.program_id(1)

    @pl.when((h == 0) & (t == 0))
    def _init():
        kl_ref[0, 0] = 0.0

    rows = t * RB
    q = q_ref[0]
    qq = qq_ref[0]
    grow = rows + lax.broadcasted_iota(jnp.int32, (RB, 1), 0)
    cat_q = jnp.where(grow > 0, qq, q)

    @pl.when(t == 0)
    def _per_head():
        rows_n = lax.broadcasted_iota(jnp.int32, (N, 1), 0)
        catk_s[...] = jnp.where(rows_n > 0, qk_ref[0], k_ref[0])

    k = k_ref[0]
    v = v_ref[0]

    u = _dot_nt(q * SCALE, k)
    e = jnp.exp(u)
    s1 = _dot_nt(e, jnp.ones((1, N), F32))
    eu1 = jnp.sum(e * u, axis=1, keepdims=True)
    e_s[...] = e

    u2 = _dot_nt(cat_q * SCALE, catk_s[...])
    e2 = jnp.exp(u2)
    s2 = jnp.sum(e2, axis=1, keepdims=True)
    p = jnp.sum(e_s[...] * e2, axis=1, keepdims=True)
    o = _dot(e2, v) * (1.0 / s2)

    kl_ref[0, 0] += jnp.sum(eu1 / s1 - jnp.log(s1) - p / (s1 * s2))

    o768 = _dot(o, wp_ref[...])

    @pl.when(h == 0)
    def _store():
        out_ref[pl.ds(rows, RB), :] = o768

    @pl.when(h > 0)
    def _accum():
        out_ref[pl.ds(rows, RB), :] += o768


def kernel(x, W_qkv, W_proj, b_proj, q_embed, k_embed):
    x2 = x.reshape(N, C)
    qkv_spec = [
        pl.BlockSpec((RB, C), lambda t, h: (t, 0)),
        pl.BlockSpec((3 * C, C), lambda t, h: (0, 0)),
        pl.BlockSpec((H, K, HD), lambda t, h: (0, 0, 0)),
        pl.BlockSpec((H, K, HD), lambda t, h: (0, 0, 0)),
    ]
    s1_scalar = pl.BlockSpec((1, 1), lambda t, h: (0, 0),
                             memory_space=pltpu.SMEM)
    qall, kall, vall, iq, ik, mseq, msek = pl.pallas_call(
        _stage1,
        grid=(PR, H),
        in_specs=qkv_spec,
        out_specs=[
            pl.BlockSpec((1, RB, HD), lambda t, h: (h, t, 0)),
            pl.BlockSpec((1, RB, HD), lambda t, h: (h, t, 0)),
            pl.BlockSpec((1, RB, HD), lambda t, h: (h, t, 0)),
            pl.BlockSpec((1, 1, RB), lambda t, h: (h, 0, t)),
            pl.BlockSpec((1, 1, RB), lambda t, h: (h, 0, t)),
            s1_scalar, s1_scalar,
        ],
        out_shape=[
            jax.ShapeDtypeStruct((H, N, HD), F32),
            jax.ShapeDtypeStruct((H, N, HD), F32),
            jax.ShapeDtypeStruct((H, N, HD), F32),
            jax.ShapeDtypeStruct((H, 1, N), jnp.int32),
            jax.ShapeDtypeStruct((H, 1, N), jnp.int32),
            jax.ShapeDtypeStruct((1, 1), F32),
            jax.ShapeDtypeStruct((1, 1), F32),
        ],
        compiler_params=pltpu.CompilerParams(
            dimension_semantics=("arbitrary", "arbitrary"),
        ),
    )(x2, W_qkv, q_embed, k_embed)

    table = jnp.concatenate([q_embed.reshape(H * K, HD),
                             k_embed.reshape(H * K, HD)])
    idx_flat = jnp.concatenate([iq.reshape(H * N), ik.reshape(H * N)])
    sc_gather, idx_shape = _make_sc_gather()
    quant = sc_gather(table, idx_flat.reshape(idx_shape))
    qq = quant[:H * N].reshape(H, N, HD)
    qk = quant[H * N:].reshape(H, N, HD)

    scalar_spec = pl.BlockSpec((1, 1), lambda h, t: (0, 0),
                               memory_space=pltpu.SMEM)
    out, kl = pl.pallas_call(
        _stage3,
        grid=(H, PR),
        in_specs=[
            pl.BlockSpec((1, RB, HD), lambda h, t: (h, t, 0)),
            pl.BlockSpec((1, N, HD), lambda h, t: (h, 0, 0)),
            pl.BlockSpec((1, N, HD), lambda h, t: (h, 0, 0)),
            pl.BlockSpec((1, RB, HD), lambda h, t: (h, t, 0)),
            pl.BlockSpec((1, N, HD), lambda h, t: (h, 0, 0)),
            pl.BlockSpec((HD, C), lambda h, t: (h, 0)),
        ],
        out_specs=[
            pl.BlockSpec((N, C), lambda h, t: (0, 0)),
            scalar_spec,
        ],
        out_shape=[
            jax.ShapeDtypeStruct((N, C), F32),
            jax.ShapeDtypeStruct((1, 1), F32),
        ],
        scratch_shapes=[
            pltpu.VMEM((RB, N), F32),
            pltpu.VMEM((N, HD), F32),
        ],
        compiler_params=pltpu.CompilerParams(
            dimension_semantics=("arbitrary", "arbitrary"),
        ),
    )(qall, kall, vall, qq, qk, W_proj.T)

    M = N - 1
    quant_loss = (mseq[0, 0] + msek[0, 0]) / (H * M * HD) \
        + kl[0, 0] / (H * N * N)
    return (out + b_proj)[None], quant_loss

# --- scband reference (transcript-rebuilt; emitter-appended) ---
"""Pipeline reference for scband-quantize-attention-5875515261025 (READ-ONLY COPY).

The authoritative reference and input builder live on the scoring server;
editing this copy changes nothing except your own understanding.
"""

import jax, jax.numpy as jnp
import numpy as np

B, N, C, H, K = 1, 2048, 768, 12, 512
HD = C // H


def setup_inputs(seed: int = 0) -> dict:
    key = jax.random.key(seed)
    ks = jax.random.split(key, 6)
    x = jax.random.normal(ks[0], (B, N, C), dtype=jnp.float32)
    W_qkv = jax.random.normal(ks[1], (3 * C, C), dtype=jnp.float32) * (C ** -0.5)
    W_proj = jax.random.normal(ks[2], (C, C), dtype=jnp.float32) * (C ** -0.5)
    b_proj = jnp.zeros((C,), dtype=jnp.float32)
    q_embed = jax.random.normal(ks[3], (H, K, HD), dtype=jnp.float32)
    k_embed = jax.random.normal(ks[4], (H, K, HD), dtype=jnp.float32)
    return {"x": x, "W_qkv": W_qkv, "W_proj": W_proj, "b_proj": b_proj, "q_embed": q_embed, "k_embed": k_embed}


def _quantize_except_cls(t, embed):
    # t: [B,H,N,hd], embed: [H,K,hd]
    cls_tok = t[:, :, 0:1, :]
    feat = t[:, :, 1:, :]
    # squared euclidean distances (same argmin as torch.cdist p=2)
    d2 = (jnp.sum(feat ** 2, axis=-1)[..., None]
          - 2.0 * jnp.einsum('bhmd,hkd->bhmk', feat, embed)
          + jnp.sum(embed ** 2, axis=-1)[None, :, None, :])
    idx = jnp.argmin(d2, axis=-1)  # [B,H,M]
    # gather codewords: grads flow into embed via take_along_axis (scatter-add in bwd)
    quant = jnp.take_along_axis(embed[None], idx[..., None], axis=2)  # [B,H,M,hd]
    return cls_tok, quant


def _forward(x, W_qkv, W_proj, b_proj, q_embed, k_embed):
    b, n, c = x.shape
    scale = HD ** (-0.5)
    qkv = (x @ W_qkv.T).reshape(b, n, 3, H, HD).transpose(2, 0, 3, 1, 4)
    q, k, v = qkv[0], qkv[1], qkv[2]
    attn = jax.nn.softmax((q @ jnp.swapaxes(k, -2, -1)) * scale, axis=-1)
    q_cls, quant_q = _quantize_except_cls(q, q_embed)
    k_cls, quant_k = _quantize_except_cls(k, k_embed)
    sg = jax.lax.stop_gradient
    cat_q = jnp.concatenate([sg(q_cls), quant_q], axis=2)
    cat_k = jnp.concatenate([sg(k_cls), quant_k], axis=2)
    quant_attn = jax.nn.softmax((cat_q @ jnp.swapaxes(cat_k, -2, -1)) * scale, axis=-1)
    quant_loss = jnp.mean((quant_q - sg(q[:, :, 1:, :])) ** 2) + jnp.mean((quant_k - sg(k[:, :, 1:, :])) ** 2)
    # F.kl_div(input=quant_attn, target=attn.detach()), reduction='mean':
    # mean over all elements of target * (log(target) - input)  (input treated as log-probs, faithful to original misuse)
    attn_d = sg(attn)
    quant_loss = quant_loss + jnp.mean(attn_d * (jnp.log(attn_d) - quant_attn))
    out = jnp.swapaxes(quant_attn @ v, 1, 2).reshape(b, n, c)
    out = out @ W_proj.T + b_proj
    return out, quant_loss


def reference(x, W_qkv, W_proj, b_proj, q_embed, k_embed):
    return _forward(x, W_qkv, W_proj, b_proj, q_embed, k_embed)

if __name__ == "__main__":
    import jax
    _d = setup_inputs()
    print(jax.jit(kernel)(*tuple(_d.values())))

</pallas_src>

<mosaic_0001>
#map = affine_map<(d0, d1) -> (0, 0)>
#map1 = affine_map<(d0, d1) -> (0, 0, 0)>
module attributes {stable_mosaic.version = 14 : i64} {
  func.func @sc_gather(%arg0: i32, %arg1: i32, %arg2: memref<12288x64xf32, #tpu.memory_space<hbm>>, %arg3: memref<32x12x128xi32, #tpu.memory_space<hbm>>, %arg4: memref<49152x64xf32, #tpu.memory_space<hbm>>, %arg5: memref<12x128xi32, #tpu.memory_space<vmem>>, %arg6: memref<1536x64xf32, #tpu.memory_space<vmem>>, %arg7: memref<!tpu.dma_semaphore, #tpu.memory_space<semaphore_mem>>) attributes {dimension_semantics = [#tpu.dimension_semantics<core_parallel>, #tpu.dimension_semantics<subcore_parallel>], iteration_bounds = array<i64: 2, 16>, scalar_prefetch = 0 : i64, scratch_operands = 3 : i64, tpu.core_type = #tpu.core_type<sc_vector_subcore>, window_params = [{transform_indices = #map}, {transform_indices = #map1}, {transform_indices = #map}]} {
    %mul3A = arith.constant 2 : i32
    %mul3A_0 = arith.muli %arg1, %mul3A : i32
    %add3A = arith.addi %mul3A_0, %arg0 : i32
    "tpu.region"() ({
      %run_scoped3A = tpu.sem_alloc : memref<!tpu.dma_semaphore, #tpu.memory_space<semaphore_mem>>
      %dma_start3A_241 = arith.constant 0 : i32
      %dma_start3A_242 = arith.constant 0 : i32
      %dma_start3A_243 = tpu.memref_slice %arg3[%add3A, %dma_start3A_241, %dma_start3A_242] : memref<32x12x128xi32, #tpu.memory_space<hbm>> -> memref<1x12x128xi32, #tpu.memory_space<hbm>>
      %dma_start3A_244 = tpu.memref_squeeze %dma_start3A_243 : memref<1x12x128xi32, #tpu.memory_space<hbm>> -> memref<12x128xi32, #tpu.memory_space<hbm>>
      %dma_start3A_245 = arith.constant 0 : i32
      %dma_start3A_246 = arith.constant 0 : i32
      %dma_start3A_247 = tpu.memref_slice %arg3[%add3A, %dma_start3A_245, %dma_start3A_246] : memref<32x12x128xi32, #tpu.memory_space<hbm>> -> memref<1x12x128xi32, #tpu.memory_space<hbm>>
      %dma_start3A_248 = tpu.memref_squeeze %dma_start3A_247 : memref<1x12x128xi32, #tpu.memory_space<hbm>> -> memref<12x128xi32, #tpu.memory_space<hbm>>
      tpu.enqueue_dma source(%dma_start3A_248 : memref<12x128xi32, #tpu.memory_space<hbm>>) target(%arg5 : memref<12x128xi32, #tpu.memory_space<vmem>>) target_semaphore(%run_scoped3A : memref<!tpu.dma_semaphore, #tpu.memory_space<semaphore_mem>>)
      %dma_wait3A_249 = arith.constant 0 : i32
      %dma_wait3A_250 = arith.constant 0 : i32
      %dma_wait3A_251 = tpu.memref_slice %arg3[%add3A, %dma_wait3A_249, %dma_wait3A_250] : memref<32x12x128xi32, #tpu.memory_space<hbm>> -> memref<1x12x128xi32, #tpu.memory_space<hbm>>
      %dma_wait3A_252 = tpu.memref_squeeze %dma_wait3A_251 : memref<1x12x128xi32, #tpu.memory_space<hbm>> -> memref<12x128xi32, #tpu.memory_space<hbm>>
      %dma_wait3A_253 = arith.constant 0 : i32
      %dma_wait3A_254 = arith.constant 0 : i32
      %dma_wait3A_255 = tpu.memref_slice %arg3[%add3A, %dma_wait3A_253, %dma_wait3A_254] : memref<32x12x128xi32, #tpu.memory_space<hbm>> -> memref<1x12x128xi32, #tpu.memory_space<hbm>>
      %dma_wait3A_256 = tpu.memref_squeeze %dma_wait3A_255 : memref<1x12x128xi32, #tpu.memory_space<hbm>> -> memref<12x128xi32, #tpu.memory_space<hbm>>
      tpu.wait_dma2 semaphore(%run_scoped3A : memref<!tpu.dma_semaphore, #tpu.memory_space<semaphore_mem>>) src(%dma_wait3A_256 : memref<12x128xi32, #tpu.memory_space<hbm>>) dst(%arg5 : memref<12x128xi32, #tpu.memory_space<vmem>>)
      tpu.yield
    }) : () -> ()
    %dma_start3A = arith.constant 0 : i32
    %dma_start3A_1 = arith.constant 0 : i32
    %dma_start3A_2 = arith.constant 0 : i32
    %dma_start3A_3 = tpu.memref_slice %arg6[%dma_start3A_1, %dma_start3A_2] : memref<1536x64xf32, #tpu.memory_space<vmem>> -> memref<128x64xf32, #tpu.memory_space<vmem>>
    %dma_start3A_4 = arith.constant 0 : i32
    %dma_start3A_5 = tpu.memref_slice %arg5[%dma_start3A, %dma_start3A_4] : memref<12x128xi32, #tpu.memory_space<vmem>> -> memref<1x128xi32, #tpu.memory_space<vmem>>
    %dma_start3A_6 = tpu.memref_squeeze %dma_start3A_5 : memref<1x128xi32, #tpu.memory_space<vmem>> -> memref<128xi32, #tpu.memory_space<vmem>>
    %dma_start3A_7 = arith.constant 0 : i32
    %dma_start3A_8 = arith.constant 0 : i32
    %dma_start3A_9 = tpu.memref_slice %arg2[%dma_start3A_7, %dma_start3A_8] : memref<12288x64xf32, #tpu.memory_space<hbm>> -> memref<12288x64xf32, #tpu.memory_space<hbm>>
    tpu.enqueue_indirect_dma source(%dma_start3A_9 : memref<12288x64xf32, #tpu.memory_space<hbm>>) target(%dma_start3A_3 : memref<128x64xf32, #tpu.memory_space<vmem>>) offsets(%dma_start3A_6 : memref<128xi32, #tpu.memory_space<vmem>>) semaphore(%arg7 : memref<!tpu.dma_semaphore, #tpu.memory_space<semaphore_mem>>)
    %dma_start3A_10 = arith.constant 1 : i32
    %dma_start3A_11 = arith.constant 128 : i32
    %dma_start3A_12 = arith.constant 0 : i32
    %dma_start3A_13 = tpu.memref_slice %arg6[%dma_start3A_11, %dma_start3A_12] : memref<1536x64xf32, #tpu.memory_space<vmem>> -> memref<128x64xf32, #tpu.memory_space<vmem>>
    %dma_start3A_14 = arith.constant 0 : i32
    %dma_start3A_15 = tpu.memref_slice %arg5[%dma_start3A_10, %dma_start3A_14] : memref<12x128xi32, #tpu.memory_space<vmem>> -> memref<1x128xi32, #tpu.memory_space<vmem>>
    %dma_start3A_16 = tpu.memref_squeeze %dma_start3A_15 : memref<1x128xi32, #tpu.memory_space<vmem>> -> memref<128xi32, #tpu.memory_space<vmem>>
    %dma_start3A_17 = arith.constant 0 : i32
    %dma_start3A_18 = arith.constant 0 : i32
    %dma_start3A_19 = tpu.memref_slice %arg2[%dma_start3A_17, %dma_start3A_18] : memref<12288x64xf32, #tpu.memory_space<hbm>> -> memref<12288x64xf32, #tpu.memory_space<hbm>>
    tpu.enqueue_indirect_dma source(%dma_start3A_19 : memref<12288x64xf32, #tpu.memory_space<hbm>>) target(%dma_start3A_13 : memref<128x64xf32, #tpu.memory_space<vmem>>) offsets(%dma_start3A_16 : memref<128xi32, #tpu.memory_space<vmem>>) semaphore(%arg7 : memref<!tpu.dma_semaphore, #tpu.memory_space<semaphore_mem>>)
    %dma_start3A_20 = arith.constant 2 : i32
    %dma_start3A_21 = arith.constant 256 : i32
    %dma_start3A_22 = arith.constant 0 : i32
    %dma_start3A_23 = tpu.memref_slice %arg6[%dma_start3A_21, %dma_start3A_22] : memref<1536x64xf32, #tpu.memory_space<vmem>> -> memref<128x64xf32, #tpu.memory_space<vmem>>
    %dma_start3A_24 = arith.constant 0 : i32
    %dma_start3A_25 = tpu.memref_slice %arg5[%dma_start3A_20, %dma_start3A_24] : memref<12x128xi32, #tpu.memory_space<vmem>> -> memref<1x128xi32, #tpu.memory_space<vmem>>
    %dma_start3A_26 = tpu.memref_squeeze %dma_start3A_25 : memref<1x128xi32, #tpu.memory_space<vmem>> -> memref<128xi32, #tpu.memory_space<vmem>>
    %dma_start3A_27 = arith.constant 0 : i32
    %dma_start3A_28 = arith.constant 0 : i32
    %dma_start3A_29 = tpu.memref_slice %arg2[%dma_start3A_27, %dma_start3A_28] : memref<12288x64xf32, #tpu.memory_space<hbm>> -> memref<12288x64xf32, #tpu.memory_space<hbm>>
    tpu.enqueue_indirect_dma source(%dma_start3A_29 : memref<12288x64xf32, #tpu.memory_space<hbm>>) target(%dma_start3A_23 : memref<128x64xf32, #tpu.memory_space<vmem>>) offsets(%dma_start3A_26 : memref<128xi32, #tpu.memory_space<vmem>>) semaphore(%arg7 : memref<!tpu.dma_semaphore, #tpu.memory_space<semaphore_mem>>)
    %dma_start3A_30 = arith.constant 3 : i32
    %dma_start3A_31 = arith.constant 384 : i32
    %dma_start3A_32 = arith.constant 0 : i32
    %dma_start3A_33 = tpu.memref_slice %arg6[%dma_start3A_31, %dma_start3A_32] : memref<1536x64xf32, #tpu.memory_space<vmem>> -> memref<128x64xf32, #tpu.memory_space<vmem>>
    %dma_start3A_34 = arith.constant 0 : i32
    %dma_start3A_35 = tpu.memref_slice %arg5[%dma_start3A_30, %dma_start3A_34] : memref<12x128xi32, #tpu.memory_space<vmem>> -> memref<1x128xi32, #tpu.memory_space<vmem>>
    %dma_start3A_36 = tpu.memref_squeeze %dma_start3A_35 : memref<1x128xi32, #tpu.memory_space<vmem>> -> memref<128xi32, #tpu.memory_space<vmem>>
    %dma_start3A_37 = arith.constant 0 : i32
    %dma_start3A_38 = arith.constant 0 : i32
    %dma_start3A_39 = tpu.memref_slice %arg2[%dma_start3A_37, %dma_start3A_38] : memref<12288x64xf32, #tpu.memory_space<hbm>> -> memref<12288x64xf32, #tpu.memory_space<hbm>>
    tpu.enqueue_indirect_dma source(%dma_start3A_39 : memref<12288x64xf32, #tpu.memory_space<hbm>>) target(%dma_start3A_33 : memref<128x64xf32, #tpu.memory_space<vmem>>) offsets(%dma_start3A_36 : memref<128xi32, #tpu.memory_space<vmem>>) semaphore(%arg7 : memref<!tpu.dma_semaphore, #tpu.memory_space<semaphore_mem>>)
    %dma_start3A_40 = arith.constant 4 : i32
    %dma_start3A_41 = arith.constant 512 : i32
    %dma_start3A_42 = arith.constant 0 : i32
    %dma_start3A_43 = tpu.memref_slice %arg6[%dma_start3A_41, %dma_start3A_42] : memref<1536x64xf32, #tpu.memory_space<vmem>> -> memref<128x64xf32, #tpu.memory_space<vmem>>
    %dma_start3A_44 = arith.constant 0 : i32
    %dma_start3A_45 = tpu.memref_slice %arg5[%dma_start3A_40, %dma_start3A_44] : memref<12x128xi32, #tpu.memory_space<vmem>> -> memref<1x128xi32, #tpu.memory_space<vmem>>
    %dma_start3A_46 = tpu.memref_squeeze %dma_start3A_45 : memref<1x128xi32, #tpu.memory_space<vmem>> -> memref<128xi32, #tpu.memory_space<vmem>>
    %dma_start3A_47 = arith.constant 0 : i32
    %dma_start3A_48 = arith.constant 0 : i32
    %dma_start3A_49 = tpu.memref_slice %arg2[%dma_start3A_47, %dma_start3A_48] : memref<12288x64xf32, #tpu.memory_space<hbm>> -> memref<12288x64xf32, #tpu.memory_space<hbm>>
    tpu.enqueue_indirect_dma source(%dma_start3A_49 : memref<12288x64xf32, #tpu.memory_space<hbm>>) target(%dma_start3A_43 : memref<128x64xf32, #tpu.memory_space<vmem>>) offsets(%dma_start3A_46 : memref<128xi32, #tpu.memory_space<vmem>>) semaphore(%arg7 : memref<!tpu.dma_semaphore, #tpu.memory_space<semaphore_mem>>)
    %dma_start3A_50 = arith.constant 5 : i32
    %dma_start3A_51 = arith.constant 640 : i32
    %dma_start3A_52 = arith.constant 0 : i32
    %dma_start3A_53 = tpu.memref_slice %arg6[%dma_start3A_51, %dma_start3A_52] : memref<1536x64xf32, #tpu.memory_space<vmem>> -> memref<128x64xf32, #tpu.memory_space<vmem>>
    %dma_start3A_54 = arith.constant 0 : i32
    %dma_start3A_55 = tpu.memref_slice %arg5[%dma_start3A_50, %dma_start3A_54] : memref<12x128xi32, #tpu.memory_space<vmem>> -> memref<1x128xi32, #tpu.memory_space<vmem>>
    %dma_start3A_56 = tpu.memref_squeeze %dma_start3A_55 : memref<1x128xi32, #tpu.memory_space<vmem>> -> memref<128xi32, #tpu.memory_space<vmem>>
    %dma_start3A_57 = arith.constant 0 : i32
    %dma_start3A_58 = arith.constant 0 : i32
    %dma_start3A_59 = tpu.memref_slice %arg2[%dma_start3A_57, %dma_start3A_58] : memref<12288x64xf32, #tpu.memory_space<hbm>> -> memref<12288x64xf32, #tpu.memory_space<hbm>>
    tpu.enqueue_indirect_dma source(%dma_start3A_59 : memref<12288x64xf32, #tpu.memory_space<hbm>>) target(%dma_start3A_53 : memref<128x64xf32, #tpu.memory_space<vmem>>) offsets(%dma_start3A_56 : memref<128xi32, #tpu.memory_space<vmem>>) semaphore(%arg7 : memref<!tpu.dma_semaphore, #tpu.memory_space<semaphore_mem>>)
    %dma_start3A_60 = arith.constant 6 : i32
    %dma_start3A_61 = arith.constant 768 : i32
    %dma_start3A_62 = arith.constant 0 : i32
    %dma_start3A_63 = tpu.memref_slice %arg6[%dma_start3A_61, %dma_start3A_62] : memref<1536x64xf32, #tpu.memory_space<vmem>> -> memref<128x64xf32, #tpu.memory_space<vmem>>
    %dma_start3A_64 = arith.constant 0 : i32
    %dma_start3A_65 = tpu.memref_slice %arg5[%dma_start3A_60, %dma_start3A_64] : memref<12x128xi32, #tpu.memory_space<vmem>> -> memref<1x128xi32, #tpu.memory_space<vmem>>
    %dma_start3A_66 = tpu.memref_squeeze %dma_start3A_65 : memref<1x128xi32, #tpu.memory_space<vmem>> -> memref<128xi32, #tpu.memory_space<vmem>>
    %dma_start3A_67 = arith.constant 0 : i32
    %dma_start3A_68 = arith.constant 0 : i32
    %dma_start3A_69 = tpu.memref_slice %arg2[%dma_start3A_67, %dma_start3A_68] : memref<12288x64xf32, #tpu.memory_space<hbm>> -> memref<12288x64xf32, #tpu.memory_space<hbm>>
    tpu.enqueue_indirect_dma source(%dma_start3A_69 : memref<12288x64xf32, #tpu.memory_space<hbm>>) target(%dma_start3A_63 : memref<128x64xf32, #tpu.memory_space<vmem>>) offsets(%dma_start3A_66 : memref<128xi32, #tpu.memory_space<vmem>>) semaphore(%arg7 : memref<!tpu.dma_semaphore, #tpu.memory_space<semaphore_mem>>)
    %dma_start3A_70 = arith.constant 7 : i32
    %dma_start3A_71 = arith.constant 896 : i32
    %dma_start3A_72 = arith.constant 0 : i32
    %dma_start3A_73 = tpu.memref_slice %arg6[%dma_start3A_71, %dma_start3A_72] : memref<1536x64xf32, #tpu.memory_space<vmem>> -> memref<128x64xf32, #tpu.memory_space<vmem>>
    %dma_start3A_74 = arith.constant 0 : i32
    %dma_start3A_75 = tpu.memref_slice %arg5[%dma_start3A_70, %dma_start3A_74] : memref<12x128xi32, #tpu.memory_space<vmem>> -> memref<1x128xi32, #tpu.memory_space<vmem>>
    %dma_start3A_76 = tpu.memref_squeeze %dma_start3A_75 : memref<1x128xi32, #tpu.memory_space<vmem>> -> memref<128xi32, #tpu.memory_space<vmem>>
    %dma_start3A_77 = arith.constant 0 : i32
    %dma_start3A_78 = arith.constant 0 : i32
    %dma_start3A_79 = tpu.memref_slice %arg2[%dma_start3A_77, %dma_start3A_78] : memref<12288x64xf32, #tpu.memory_space<hbm>> -> memref<12288x64xf32, #tpu.memory_space<hbm>>
    tpu.enqueue_indirect_dma source(%dma_start3A_79 : memref<12288x64xf32, #tpu.memory_space<hbm>>) target(%dma_start3A_73 : memref<128x64xf32, #tpu.memory_space<vmem>>) offsets(%dma_start3A_76 : memref<128xi32, #tpu.memory_space<vmem>>) semaphore(%arg7 : memref<!tpu.dma_semaphore, #tpu.memory_space<semaphore_mem>>)
    %dma_start3A_80 = arith.constant 8 : i32
    %dma_start3A_81 = arith.constant 1024 : i32
    %dma_start3A_82 = arith.constant 0 : i32
    %dma_start3A_83 = tpu.memref_slice %arg6[%dma_start3A_81, %dma_start3A_82] : memref<1536x64xf32, #tpu.memory_space<vmem>> -> memref<128x64xf32, #tpu.memory_space<vmem>>
    %dma_start3A_84 = arith.constant 0 : i32
    %dma_start3A_85 = tpu.memref_slice %arg5[%dma_start3A_80, %dma_start3A_84] : memref<12x128xi32, #tpu.memory_space<vmem>> -> memref<1x128xi32, #tpu.memory_space<vmem>>
    %dma_start3A_86 = tpu.memref_squeeze %dma_start3A_85 : memref<1x128xi32, #tpu.memory_space<vmem>> -> memref<128xi32, #tpu.memory_space<vmem>>
    %dma_start3A_87 = arith.constant 0 : i32
    %dma_start3A_88 = arith.constant 0 : i32
    %dma_start3A_89 = tpu.memref_slice %arg2[%dma_start3A_87, %dma_start3A_88] : memref<12288x64xf32, #tpu.memory_space<hbm>> -> memref<12288x64xf32, #tpu.memory_space<hbm>>
    tpu.enqueue_indirect_dma source(%dma_start3A_89 : memref<12288x64xf32, #tpu.memory_space<hbm>>) target(%dma_start3A_83 : memref<128x64xf32, #tpu.memory_space<vmem>>) offsets(%dma_start3A_86 : memref<128xi32, #tpu.memory_space<vmem>>) semaphore(%arg7 : memref<!tpu.dma_semaphore, #tpu.memory_space<semaphore_mem>>)
    %dma_start3A_90 = arith.constant 9 : i32
    %dma_start3A_91 = arith.constant 1152 : i32
    %dma_start3A_92 = arith.constant 0 : i32
    %dma_start3A_93 = tpu.memref_slice %arg6[%dma_start3A_91, %dma_start3A_92] : memref<1536x64xf32, #tpu.memory_space<vmem>> -> memref<128x64xf32, #tpu.memory_space<vmem>>
    %dma_start3A_94 = arith.constant 0 : i32
    %dma_start3A_95 = tpu.memref_slice %arg5[%dma_start3A_90, %dma_start3A_94] : memref<12x128xi32, #tpu.memory_space<vmem>> -> memref<1x128xi32, #tpu.memory_space<vmem>>
    %dma_start3A_96 = tpu.memref_squeeze %dma_start3A_95 : memref<1x128xi32, #tpu.memory_space<vmem>> -> memref<128xi32, #tpu.memory_space<vmem>>
    %dma_start3A_97 = arith.constant 0 : i32
    %dma_start3A_98 = arith.constant 0 : i32
    %dma_start3A_99 = tpu.memref_slice %arg2[%dma_start3A_97, %dma_start3A_98] : memref<12288x64xf32, #tpu.memory_space<hbm>> -> memref<12288x64xf32, #tpu.memory_space<hbm>>
    tpu.enqueue_indirect_dma source(%dma_start3A_99 : memref<12288x64xf32, #tpu.memory_space<hbm>>) target(%dma_start3A_93 : memref<128x64xf32, #tpu.memory_space<vmem>>) offsets(%dma_start3A_96 : memref<128xi32, #tpu.memory_space<vmem>>) semaphore(%arg7 : memref<!tpu.dma_semaphore, #tpu.memory_space<semaphore_mem>>)
    %dma_start3A_100 = arith.constant 10 : i32
    %dma_start3A_101 = arith.constant 1280 : i32
    %dma_start3A_102 = arith.constant 0 : i32
    %dma_start3A_103 = tpu.memref_slice %arg6[%dma_start3A_101, %dma_start3A_102] : memref<1536x64xf32, #tpu.memory_space<vmem>> -> memref<128x64xf32, #tpu.memory_space<vmem>>
    %dma_start3A_104 = arith.constant 0 : i32
    %dma_start3A_105 = tpu.memref_slice %arg5[%dma_start3A_100, %dma_start3A_104] : memref<12x128xi32, #tpu.memory_space<vmem>> -> memref<1x128xi32, #tpu.memory_space<vmem>>
    %dma_start3A_106 = tpu.memref_squeeze %dma_start3A_105 : memref<1x128xi32, #tpu.memory_space<vmem>> -> memref<128xi32, #tpu.memory_space<vmem>>
    %dma_start3A_107 = arith.constant 0 : i32
    %dma_start3A_108 = arith.constant 0 : i32
    %dma_start3A_109 = tpu.memref_slice %arg2[%dma_start3A_107, %dma_start3A_108] : memref<12288x64xf32, #tpu.memory_space<hbm>> -> memref<12288x64xf32, #tpu.memory_space<hbm>>
    tpu.enqueue_indirect_dma source(%dma_start3A_109 : memref<12288x64xf32, #tpu.memory_space<hbm>>) target(%dma_start3A_103 : memref<128x64xf32, #tpu.memory_space<vmem>>) offsets(%dma_start3A_106 : memref<128xi32, #tpu.memory_space<vmem>>) semaphore(%arg7 : memref<!tpu.dma_semaphore, #tpu.memory_space<semaphore_mem>>)
    %dma_start3A_110 = arith.constant 11 : i32
    %dma_start3A_111 = arith.constant 1408 : i32
    %dma_start3A_112 = arith.constant 0 : i32
    %dma_start3A_113 = tpu.memref_slice %arg6[%dma_start3A_111, %dma_start3A_112] : memref<1536x64xf32, #tpu.memory_space<vmem>> -> memref<128x64xf32, #tpu.memory_space<vmem>>
    %dma_start3A_114 = arith.constant 0 : i32
    %dma_start3A_115 = tpu.memref_slice %arg5[%dma_start3A_110, %dma_start3A_114] : memref<12x128xi32, #tpu.memory_space<vmem>> -> memref<1x128xi32, #tpu.memory_space<vmem>>
    %dma_start3A_116 = tpu.memref_squeeze %dma_start3A_115 : memref<1x128xi32, #tpu.memory_space<vmem>> -> memref<128xi32, #tpu.memory_space<vmem>>
    %dma_start3A_117 = arith.constant 0 : i32
    %dma_start3A_118 = arith.constant 0 : i32
    %dma_start3A_119 = tpu.memref_slice %arg2[%dma_start3A_117, %dma_start3A_118] : memref<12288x64xf32, #tpu.memory_space<hbm>> -> memref<12288x64xf32, #tpu.memory_space<hbm>>
    tpu.enqueue_indirect_dma source(%dma_start3A_119 : memref<12288x64xf32, #tpu.memory_space<hbm>>) target(%dma_start3A_113 : memref<128x64xf32, #tpu.memory_space<vmem>>) offsets(%dma_start3A_116 : memref<128xi32, #tpu.memory_space<vmem>>) semaphore(%arg7 : memref<!tpu.dma_semaphore, #tpu.memory_space<semaphore_mem>>)
    %dma_wait3A = arith.constant 0 : i32
    %dma_wait3A_120 = arith.constant 0 : i32
    %dma_wait3A_121 = arith.constant 0 : i32
    %dma_wait3A_122 = tpu.memref_slice %arg6[%dma_wait3A_120, %dma_wait3A_121] : memref<1536x64xf32, #tpu.memory_space<vmem>> -> memref<128x64xf32, #tpu.memory_space<vmem>>
    %dma_wait3A_123 = arith.constant 0 : i32
    %dma_wait3A_124 = tpu.memref_slice %arg5[%dma_wait3A, %dma_wait3A_123] : memref<12x128xi32, #tpu.memory_space<vmem>> -> memref<1x128xi32, #tpu.memory_space<vmem>>
    %dma_wait3A_125 = tpu.memref_squeeze %dma_wait3A_124 : memref<1x128xi32, #tpu.memory_space<vmem>> -> memref<128xi32, #tpu.memory_space<vmem>>
    %dma_wait3A_126 = arith.constant 0 : i32
    %dma_wait3A_127 = arith.constant 0 : i32
    %dma_wait3A_128 = tpu.memref_slice %arg2[%dma_wait3A_126, %dma_wait3A_127] : memref<12288x64xf32, #tpu.memory_space<hbm>> -> memref<12288x64xf32, #tpu.memory_space<hbm>>
    tpu.wait_indirect_dma semaphore(%arg7 : memref<!tpu.dma_semaphore, #tpu.memory_space<semaphore_mem>>) src(%dma_wait3A_128 : memref<12288x64xf32, #tpu.memory_space<hbm>>) dst(%dma_wait3A_122 : memref<128x64xf32, #tpu.memory_space<vmem>>)
    %dma_wait3A_129 = arith.constant 1 : i32
    %dma_wait3A_130 = arith.constant 128 : i32
    %dma_wait3A_131 = arith.constant 0 : i32
    %dma_wait3A_132 = tpu.memref_slice %arg6[%dma_wait3A_130, %dma_wait3A_131] : memref<1536x64xf32, #tpu.memory_space<vmem>> -> memref<128x64xf32, #tpu.memory_space<vmem>>
    %dma_wait3A_133 = arith.constant 0 : i32
    %dma_wait3A_134 = tpu.memref_slice %arg5[%dma_wait3A_129, %dma_wait3A_133] : memref<12x128xi32, #tpu.memory_space<vmem>> -> memref<1x128xi32, #tpu.memory_space<vmem>>
    %dma_wait3A_135 = tpu.memref_squeeze %dma_wait3A_134 : memref<1x128xi32, #tpu.memory_space<vmem>> -> memref<128xi32, #tpu.memory_space<vmem>>
    %dma_wait3A_136 = arith.constant 0 : i32
    %dma_wait3A_137 = arith.constant 0 : i32
    %dma_wait3A_138 = tpu.memref_slice %arg2[%dma_wait3A_136, %dma_wait3A_137] : memref<12288x64xf32, #tpu.memory_space<hbm>> -> memref<12288x64xf32, #tpu.memory_space<hbm>>
    tpu.wait_indirect_dma semaphore(%arg7 : memref<!tpu.dma_semaphore, #tpu.memory_space<semaphore_mem>>) src(%dma_wait3A_138 : memref<12288x64xf32, #tpu.memory_space<hbm>>) dst(%dma_wait3A_132 : memref<128x64xf32, #tpu.memory_space<vmem>>)
    %dma_wait3A_139 = arith.constant 2 : i32
    %dma_wait3A_140 = arith.constant 256 : i32
    %dma_wait3A_141 = arith.constant 0 : i32
    %dma_wait3A_142 = tpu.memref_slice %arg6[%dma_wait3A_140, %dma_wait3A_141] : memref<1536x64xf32, #tpu.memory_space<vmem>> -> memref<128x64xf32, #tpu.memory_space<vmem>>
    %dma_wait3A_143 = arith.constant 0 : i32
    %dma_wait3A_144 = tpu.memref_slice %arg5[%dma_wait3A_139, %dma_wait3A_143] : memref<12x128xi32, #tpu.memory_space<vmem>> -> memref<1x128xi32, #tpu.memory_space<vmem>>
    %dma_wait3A_145 = tpu.memref_squeeze %dma_wait3A_144 : memref<1x128xi32, #tpu.memory_space<vmem>> -> memref<128xi32, #tpu.memory_space<vmem>>
    %dma_wait3A_146 = arith.constant 0 : i32
    %dma_wait3A_147 = arith.constant 0 : i32
    %dma_wait3A_148 = tpu.memref_slice %arg2[%dma_wait3A_146, %dma_wait3A_147] : memref<12288x64xf32, #tpu.memory_space<hbm>> -> memref<12288x64xf32, #tpu.memory_space<hbm>>
    tpu.wait_indirect_dma semaphore(%arg7 : memref<!tpu.dma_semaphore, #tpu.memory_space<semaphore_mem>>) src(%dma_wait3A_148 : memref<12288x64xf32, #tpu.memory_space<hbm>>) dst(%dma_wait3A_142 : memref<128x64xf32, #tpu.memory_space<vmem>>)
    %dma_wait3A_149 = arith.constant 3 : i32
    %dma_wait3A_150 = arith.constant 384 : i32
    %dma_wait3A_151 = arith.constant 0 : i32
    %dma_wait3A_152 = tpu.memref_slice %arg6[%dma_wait3A_150, %dma_wait3A_151] : memref<1536x64xf32, #tpu.memory_space<vmem>> -> memref<128x64xf32, #tpu.memory_space<vmem>>
    %dma_wait3A_153 = arith.constant 0 : i32
    %dma_wait3A_154 = tpu.memref_slice %arg5[%dma_wait3A_149, %dma_wait3A_153] : memref<12x128xi32, #tpu.memory_space<vmem>> -> memref<1x128xi32, #tpu.memory_space<vmem>>
    %dma_wait3A_155 = tpu.memref_squeeze %dma_wait3A_154 : memref<1x128xi32, #tpu.memory_space<vmem>> -> memref<128xi32, #tpu.memory_space<vmem>>
    %dma_wait3A_156 = arith.constant 0 : i32
    %dma_wait3A_157 = arith.constant 0 : i32
    %dma_wait3A_158 = tpu.memref_slice %arg2[%dma_wait3A_156, %dma_wait3A_157] : memref<12288x64xf32, #tpu.memory_space<hbm>> -> memref<12288x64xf32, #tpu.memory_space<hbm>>
    tpu.wait_indirect_dma semaphore(%arg7 : memref<!tpu.dma_semaphore, #tpu.memory_space<semaphore_mem>>) src(%dma_wait3A_158 : memref<12288x64xf32, #tpu.memory_space<hbm>>) dst(%dma_wait3A_152 : memref<128x64xf32, #tpu.memory_space<vmem>>)
    %dma_wait3A_159 = arith.constant 4 : i32
    %dma_wait3A_160 = arith.constant 512 : i32
    %dma_wait3A_161 = arith.constant 0 : i32
    %dma_wait3A_162 = tpu.memref_slice %arg6[%dma_wait3A_160, %dma_wait3A_161] : memref<1536x64xf32, #tpu.memory_space<vmem>> -> memref<128x64xf32, #tpu.memory_space<vmem>>
    %dma_wait3A_163 = arith.constant 0 : i32
    %dma_wait3A_164 = tpu.memref_slice %arg5[%dma_wait3A_159, %dma_wait3A_163] : memref<12x128xi32, #tpu.memory_space<vmem>> -> memref<1x128xi32, #tpu.memory_space<vmem>>
    %dma_wait3A_165 = tpu.memref_squeeze %dma_wait3A_164 : memref<1x128xi32, #tpu.memory_space<vmem>> -> memref<128xi32, #tpu.memory_space<vmem>>
    %dma_wait3A_166 = arith.constant 0 : i32
    %dma_wait3A_167 = arith.constant 0 : i32
    %dma_wait3A_168 = tpu.memref_slice %arg2[%dma_wait3A_166, %dma_wait3A_167] : memref<12288x64xf32, #tpu.memory_space<hbm>> -> memref<12288x64xf32, #tpu.memory_space<hbm>>
    tpu.wait_indirect_dma semaphore(%arg7 : memref<!tpu.dma_semaphore, #tpu.memory_space<semaphore_mem>>) src(%dma_wait3A_168 : memref<12288x64xf32, #tpu.memory_space<hbm>>) dst(%dma_wait3A_162 : memref<128x64xf32, #tpu.memory_space<vmem>>)
    %dma_wait3A_169 = arith.constant 5 : i32
    %dma_wait3A_170 = arith.constant 640 : i32
    %dma_wait3A_171 = arith.constant 0 : i32
    %dma_wait3A_172 = tpu.memref_slice %arg6[%dma_wait3A_170, %dma_wait3A_171] : memref<1536x64xf32, #tpu.memory_space<vmem>> -> memref<128x64xf32, #tpu.memory_space<vmem>>
    %dma_wait3A_173 = arith.constant 0 : i32
    %dma_wait3A_174 = tpu.memref_slice %arg5[%dma_wait3A_169, %dma_wait3A_173] : memref<12x128xi32, #tpu.memory_space<vmem>> -> memref<1x128xi32, #tpu.memory_space<vmem>>
    %dma_wait3A_175 = tpu.memref_squeeze %dma_wait3A_174 : memref<1x128xi32, #tpu.memory_space<vmem>> -> memref<128xi32, #tpu.memory_space<vmem>>
    %dma_wait3A_176 = arith.constant 0 : i32
    %dma_wait3A_177 = arith.constant 0 : i32
    %dma_wait3A_178 = tpu.memref_slice %arg2[%dma_wait3A_176, %dma_wait3A_177] : memref<12288x64xf32, #tpu.memory_space<hbm>> -> memref<12288x64xf32, #tpu.memory_space<hbm>>
    tpu.wait_indirect_dma semaphore(%arg7 : memref<!tpu.dma_semaphore, #tpu.memory_space<semaphore_mem>>) src(%dma_wait3A_178 : memref<12288x64xf32, #tpu.memory_space<hbm>>) dst(%dma_wait3A_172 : memref<128x64xf32, #tpu.memory_space<vmem>>)
    %dma_wait3A_179 = arith.constant 6 : i32
    %dma_wait3A_180 = arith.constant 768 : i32
    %dma_wait3A_181 = arith.constant 0 : i32
    %dma_wait3A_182 = tpu.memref_slice %arg6[%dma_wait3A_180, %dma_wait3A_181] : memref<1536x64xf32, #tpu.memory_space<vmem>> -> memref<128x64xf32, #tpu.memory_space<vmem>>
    %dma_wait3A_183 = arith.constant 0 : i32
    %dma_wait3A_184 = tpu.memref_slice %arg5[%dma_wait3A_179, %dma_wait3A_183] : memref<12x128xi32, #tpu.memory_space<vmem>> -> memref<1x128xi32, #tpu.memory_space<vmem>>
    %dma_wait3A_185 = tpu.memref_squeeze %dma_wait3A_184 : memref<1x128xi32, #tpu.memory_space<vmem>> -> memref<128xi32, #tpu.memory_space<vmem>>
    %dma_wait3A_186 = arith.constant 0 : i32
    %dma_wait3A_187 = arith.constant 0 : i32
    %dma_wait3A_188 = tpu.memref_slice %arg2[%dma_wait3A_186, %dma_wait3A_187] : memref<12288x64xf32, #tpu.memory_space<hbm>> -> memref<12288x64xf32, #tpu.memory_space<hbm>>
    tpu.wait_indirect_dma semaphore(%arg7 : memref<!tpu.dma_semaphore, #tpu.memory_space<semaphore_mem>>) src(%dma_wait3A_188 : memref<12288x64xf32, #tpu.memory_space<hbm>>) dst(%dma_wait3A_182 : memref<128x64xf32, #tpu.memory_space<vmem>>)
    %dma_wait3A_189 = arith.constant 7 : i32
    %dma_wait3A_190 = arith.constant 896 : i32
    %dma_wait3A_191 = arith.constant 0 : i32
    %dma_wait3A_192 = tpu.memref_slice %arg6[%dma_wait3A_190, %dma_wait3A_191] : memref<1536x64xf32, #tpu.memory_space<vmem>> -> memref<128x64xf32, #tpu.memory_space<vmem>>
    %dma_wait3A_193 = arith.constant 0 : i32
    %dma_wait3A_194 = tpu.memref_slice %arg5[%dma_wait3A_189, %dma_wait3A_193] : memref<12x128xi32, #tpu.memory_space<vmem>> -> memref<1x128xi32, #tpu.memory_space<vmem>>
    %dma_wait3A_195 = tpu.memref_squeeze %dma_wait3A_194 : memref<1x128xi32, #tpu.memory_space<vmem>> -> memref<128xi32, #tpu.memory_space<vmem>>
    %dma_wait3A_196 = arith.constant 0 : i32
    %dma_wait3A_197 = arith.constant 0 : i32
    %dma_wait3A_198 = tpu.memref_slice %arg2[%dma_wait3A_196, %dma_wait3A_197] : memref<12288x64xf32, #tpu.memory_space<hbm>> -> memref<12288x64xf32, #tpu.memory_space<hbm>>
    tpu.wait_indirect_dma semaphore(%arg7 : memref<!tpu.dma_semaphore, #tpu.memory_space<semaphore_mem>>) src(%dma_wait3A_198 : memref<12288x64xf32, #tpu.memory_space<hbm>>) dst(%dma_wait3A_192 : memref<128x64xf32, #tpu.memory_space<vmem>>)
    %dma_wait3A_199 = arith.constant 8 : i32
    %dma_wait3A_200 = arith.constant 1024 : i32
    %dma_wait3A_201 = arith.constant 0 : i32
    %dma_wait3A_202 = tpu.memref_slice %arg6[%dma_wait3A_200, %dma_wait3A_201] : memref<1536x64xf32, #tpu.memory_space<vmem>> -> memref<128x64xf32, #tpu.memory_space<vmem>>
    %dma_wait3A_203 = arith.constant 0 : i32
    %dma_wait3A_204 = tpu.memref_slice %arg5[%dma_wait3A_199, %dma_wait3A_203] : memref<12x128xi32, #tpu.memory_space<vmem>> -> memref<1x128xi32, #tpu.memory_space<vmem>>
    %dma_wait3A_205 = tpu.memref_squeeze %dma_wait3A_204 : memref<1x128xi32, #tpu.memory_space<vmem>> -> memref<128xi32, #tpu.memory_space<vmem>>
    %dma_wait3A_206 = arith.constant 0 : i32
    %dma_wait3A_207 = arith.constant 0 : i32
    %dma_wait3A_208 = tpu.memref_slice %arg2[%dma_wait3A_206, %dma_wait3A_207] : memref<12288x64xf32, #tpu.memory_space<hbm>> -> memref<12288x64xf32, #tpu.memory_space<hbm>>
    tpu.wait_indirect_dma semaphore(%arg7 : memref<!tpu.dma_semaphore, #tpu.memory_space<semaphore_mem>>) src(%dma_wait3A_208 : memref<12288x64xf32, #tpu.memory_space<hbm>>) dst(%dma_wait3A_202 : memref<128x64xf32, #tpu.memory_space<vmem>>)
    %dma_wait3A_209 = arith.constant 9 : i32
    %dma_wait3A_210 = arith.constant 1152 : i32
    %dma_wait3A_211 = arith.constant 0 : i32
    %dma_wait3A_212 = tpu.memref_slice %arg6[%dma_wait3A_210, %dma_wait3A_211] : memref<1536x64xf32, #tpu.memory_space<vmem>> -> memref<128x64xf32, #tpu.memory_space<vmem>>
    %dma_wait3A_213 = arith.constant 0 : i32
    %dma_wait3A_214 = tpu.memref_slice %arg5[%dma_wait3A_209, %dma_wait3A_213] : memref<12x128xi32, #tpu.memory_space<vmem>> -> memref<1x128xi32, #tpu.memory_space<vmem>>
    %dma_wait3A_215 = tpu.memref_squeeze %dma_wait3A_214 : memref<1x128xi32, #tpu.memory_space<vmem>> -> memref<128xi32, #tpu.memory_space<vmem>>
    %dma_wait3A_216 = arith.constant 0 : i32
    %dma_wait3A_217 = arith.constant 0 : i32
    %dma_wait3A_218 = tpu.memref_slice %arg2[%dma_wait3A_216, %dma_wait3A_217] : memref<12288x64xf32, #tpu.memory_space<hbm>> -> memref<12288x64xf32, #tpu.memory_space<hbm>>
    tpu.wait_indirect_dma semaphore(%arg7 : memref<!tpu.dma_semaphore, #tpu.memory_space<semaphore_mem>>) src(%dma_wait3A_218 : memref<12288x64xf32, #tpu.memory_space<hbm>>) dst(%dma_wait3A_212 : memref<128x64xf32, #tpu.memory_space<vmem>>)
    %dma_wait3A_219 = arith.constant 10 : i32
    %dma_wait3A_220 = arith.constant 1280 : i32
    %dma_wait3A_221 = arith.constant 0 : i32
    %dma_wait3A_222 = tpu.memref_slice %arg6[%dma_wait3A_220, %dma_wait3A_221] : memref<1536x64xf32, #tpu.memory_space<vmem>> -> memref<128x64xf32, #tpu.memory_space<vmem>>
    %dma_wait3A_223 = arith.constant 0 : i32
    %dma_wait3A_224 = tpu.memref_slice %arg5[%dma_wait3A_219, %dma_wait3A_223] : memref<12x128xi32, #tpu.memory_space<vmem>> -> memref<1x128xi32, #tpu.memory_space<vmem>>
    %dma_wait3A_225 = tpu.memref_squeeze %dma_wait3A_224 : memref<1x128xi32, #tpu.memory_space<vmem>> -> memref<128xi32, #tpu.memory_space<vmem>>
    %dma_wait3A_226 = arith.constant 0 : i32
    %dma_wait3A_227 = arith.constant 0 : i32
    %dma_wait3A_228 = tpu.memref_slice %arg2[%dma_wait3A_226, %dma_wait3A_227] : memref<12288x64xf32, #tpu.memory_space<hbm>> -> memref<12288x64xf32, #tpu.memory_space<hbm>>
    tpu.wait_indirect_dma semaphore(%arg7 : memref<!tpu.dma_semaphore, #tpu.memory_space<semaphore_mem>>) src(%dma_wait3A_228 : memref<12288x64xf32, #tpu.memory_space<hbm>>) dst(%dma_wait3A_222 : memref<128x64xf32, #tpu.memory_space<vmem>>)
    %dma_wait3A_229 = arith.constant 11 : i32
    %dma_wait3A_230 = arith.constant 1408 : i32
    %dma_wait3A_231 = arith.constant 0 : i32
    %dma_wait3A_232 = tpu.memref_slice %arg6[%dma_wait3A_230, %dma_wait3A_231] : memref<1536x64xf32, #tpu.memory_space<vmem>> -> memref<128x64xf32, #tpu.memory_space<vmem>>
    %dma_wait3A_233 = arith.constant 0 : i32
    %dma_wait3A_234 = tpu.memref_slice %arg5[%dma_wait3A_229, %dma_wait3A_233] : memref<12x128xi32, #tpu.memory_space<vmem>> -> memref<1x128xi32, #tpu.memory_space<vmem>>
    %dma_wait3A_235 = tpu.memref_squeeze %dma_wait3A_234 : memref<1x128xi32, #tpu.memory_space<vmem>> -> memref<128xi32, #tpu.memory_space<vmem>>
    %dma_wait3A_236 = arith.constant 0 : i32
    %dma_wait3A_237 = arith.constant 0 : i32
    %dma_wait3A_238 = tpu.memref_slice %arg2[%dma_wait3A_236, %dma_wait3A_237] : memref<12288x64xf32, #tpu.memory_space<hbm>> -> memref<12288x64xf32, #tpu.memory_space<hbm>>
    tpu.wait_indirect_dma semaphore(%arg7 : memref<!tpu.dma_semaphore, #tpu.memory_space<semaphore_mem>>) src(%dma_wait3A_238 : memref<12288x64xf32, #tpu.memory_space<hbm>>) dst(%dma_wait3A_232 : memref<128x64xf32, #tpu.memory_space<vmem>>)
    %mul3A_239 = arith.constant 1536 : i32
    %mul3A_240 = arith.muli %add3A, %mul3A_239 : i32
    "tpu.region"() ({
      %run_scoped3A = tpu.sem_alloc : memref<!tpu.dma_semaphore, #tpu.memory_space<semaphore_mem>>
      %dma_start3A_241 = arith.constant 0 : i32
      %dma_start3A_242 = tpu.memref_slice %arg4[%mul3A_240, %dma_start3A_241] : memref<49152x64xf32, #tpu.memory_space<hbm>> -> memref<1536x64xf32, #tpu.memory_space<hbm>>
      %dma_start3A_243 = arith.constant 0 : i32
      %dma_start3A_244 = tpu.memref_slice %arg4[%mul3A_240, %dma_start3A_243] : memref<49152x64xf32, #tpu.memory_space<hbm>> -> memref<1536x64xf32, #tpu.memory_space<hbm>>
      tpu.enqueue_dma source(%arg6 : memref<1536x64xf32, #tpu.memory_space<vmem>>) target(%dma_start3A_244 : memref<1536x64xf32, #tpu.memory_space<hbm>>) target_semaphore(%run_scoped3A : memref<!tpu.dma_semaphore, #tpu.memory_space<semaphore_mem>>)
      %dma_wait3A_245 = arith.constant 0 : i32
      %dma_wait3A_246 = tpu.memref_slice %arg4[%mul3A_240, %dma_wait3A_245] : memref<49152x64xf32, #tpu.memory_space<hbm>> -> memref<1536x64xf32, #tpu.memory_space<hbm>>
      %dma_wait3A_247 = arith.constant 0 : i32
      %dma_wait3A_248 = tpu.memref_slice %arg4[%mul3A_240, %dma_wait3A_247] : memref<49152x64xf32, #tpu.memory_space<hbm>> -> memref<1536x64xf32, #tpu.memory_space<hbm>>
      tpu.wait_dma2 semaphore(%run_scoped3A : memref<!tpu.dma_semaphore, #tpu.memory_space<semaphore_mem>>) src(%arg6 : memref<1536x64xf32, #tpu.memory_space<vmem>>) dst(%dma_wait3A_248 : memref<1536x64xf32, #tpu.memory_space<hbm>>)
      tpu.yield
    }) : () -> ()
    return
  }
}

module attributes {stable_mosaic.version = 14 : i64} {
  func.func @_stage1(%arg0: i32, %arg1: i32, %arg2: memref<512x768xf32, #tpu.memory_space<vmem>>, %arg3: memref<2304x768xf32, #tpu.memory_space<vmem>>, %arg4: memref<12x512x64xf32, #tpu.memory_space<vmem>>, %arg5: memref<12x512x64xf32, #tpu.memory_space<vmem>>, %arg6: memref<1x512x64xf32, #tpu.memory_space<vmem>>, %arg7: memref<1x512x64xf32, #tpu.memory_space<vmem>>, %arg8: memref<1x512x64xf32, #tpu.memory_space<vmem>>, %arg9: memref<1x1x512xi32, #tpu.memory_space<vmem>>, %arg10: memref<1x1x512xi32, #tpu.memory_space<vmem>>, %arg11: memref<1x1xf32, #tpu.memory_space<smem>>, %arg12: memref<1x1xf32, #tpu.memory_space<smem>>) attributes {dimension_semantics = [#tpu.dimension_semantics<arbitrary>, #tpu.dimension_semantics<arbitrary>], iteration_bounds = array<i64: 4, 12>, scalar_prefetch = 0 : i64, scratch_operands = 0 : i64, tpu.core_type = #tpu.core_type<tc>, window_params = [{transform_indices = @transform_0, window_bounds = array<i64: 512, 768>}, {pipeline_mode = #tpu.pipeline_mode<synchronous>, transform_indices = @transform_1, window_bounds = array<i64: 2304, 768>}, {pipeline_mode = #tpu.pipeline_mode<synchronous>, transform_indices = @transform_2, window_bounds = array<i64: 12, 512, 64>}, {pipeline_mode = #tpu.pipeline_mode<synchronous>, transform_indices = @transform_3, window_bounds = array<i64: 12, 512, 64>}, {transform_indices = @transform_4, window_bounds = array<i64: 1, 512, 64>}, {transform_indices = @transform_5, window_bounds = array<i64: 1, 512, 64>}, {transform_indices = @transform_6, window_bounds = array<i64: 1, 512, 64>}, {transform_indices = @transform_7, window_bounds = array<i64: 1, 1, 512>}, {transform_indices = @transform_8, window_bounds = array<i64: 1, 1, 512>}, {transform_indices = @transform_9, window_bounds = array<i64: 1, 1>}, {transform_indices = @transform_10, window_bounds = array<i64: 1, 1>}]} {
    %eq3A = arith.constant 0 : i32
    %eq3A_0 = arith.cmpi eq, %arg0, %eq3A : i32
    %eq3A_1 = arith.constant 0 : i32
    %eq3A_2 = arith.cmpi eq, %arg1, %eq3A_1 : i32
    %and3A = arith.andi %eq3A_0, %eq3A_2 : i1
    %convert_element_type3A = arith.extui %and3A : i1 to i32
    %cond3A = arith.constant 0 : i32
    %cond3A_3 = arith.cmpi ne, %convert_element_type3A, %cond3A : i32
    scf.if %cond3A_3 {
      %swap3A_167 = arith.constant 0.000000e+00 : f32
      %swap3A_168 = arith.constant 0 : index
      %swap3A_169 = arith.constant 0 : index
      %swap3A_170 = memref.load %arg11[%swap3A_168, %swap3A_169] : memref<1x1xf32, #tpu.memory_space<smem>>
      memref.store %swap3A_167, %arg11[%swap3A_168, %swap3A_169] : memref<1x1xf32, #tpu.memory_space<smem>>
      %swap3A_171 = arith.constant 0.000000e+00 : f32
      %swap3A_172 = arith.constant 0 : index
      %swap3A_173 = arith.constant 0 : index
      %swap3A_174 = memref.load %arg12[%swap3A_172, %swap3A_173] : memref<1x1xf32, #tpu.memory_space<smem>>
      memref.store %swap3A_171, %arg12[%swap3A_172, %swap3A_173] : memref<1x1xf32, #tpu.memory_space<smem>>
    } else {
    }
    %get3A = arith.constant 0 : index
    %get3A_4 = arith.constant 0 : index
    %get3A_5 = vector.load %arg2[%get3A, %get3A_4] : memref<512x768xf32, #tpu.memory_space<vmem>>, vector<512x768xf32>
    %mul3A = arith.constant 64 : i32
    %mul3A_6 = arith.muli %arg1, %mul3A : i32
    %get3A_7 = arith.index_cast %mul3A_6 : i32 to index
    %get3A_8 = arith.constant 0 : index
    %get3A_9 = vector.load %arg3[%get3A_7, %get3A_8] : memref<2304x768xf32, #tpu.memory_space<vmem>>, vector<64x768xf32>
    %dot_general3A = arith.constant dense<0.000000e+00> : vector<512x64xf32>
    %dot_general3A_10 = tpu.matmul %get3A_5, %get3A_9, %dot_general3A {dimension_numbers = #tpu.dot_dimension_numbers<[1], [1], [0], [0], [0, 0, 1, 0], [], []>, transpose_lhs_hint = false} : vector<512x768xf32>, vector<64x768xf32>, vector<512x64xf32> -> vector<512x64xf32>
    %mul3A_11 = arith.constant 64 : i32
    %mul3A_12 = arith.muli %arg1, %mul3A_11 : i32
    %add3A = arith.constant 768 : i32
    %add3A_13 = arith.addi %add3A, %mul3A_12 : i32
    %get3A_14 = arith.index_cast %add3A_13 : i32 to index
    %get3A_15 = arith.constant 0 : index
    %get3A_16 = vector.load %arg3[%get3A_14, %get3A_15] : memref<2304x768xf32, #tpu.memory_space<vmem>>, vector<64x768xf32>
    %dot_general3A_17 = arith.constant dense<0.000000e+00> : vector<512x64xf32>
    %dot_general3A_18 = tpu.matmul %get3A_5, %get3A_16, %dot_general3A_17 {dimension_numbers = #tpu.dot_dimension_numbers<[1], [1], [0], [0], [0, 0, 1, 0], [], []>, transpose_lhs_hint = false} : vector<512x768xf32>, vector<64x768xf32>, vector<512x64xf32> -> vector<512x64xf32>
    %mul3A_19 = arith.constant 64 : i32
    %mul3A_20 = arith.muli %arg1, %mul3A_19 : i32
    %add3A_21 = arith.constant 1536 : i32
    %add3A_22 = arith.addi %add3A_21, %mul3A_20 : i32
    %get3A_23 = arith.index_cast %add3A_22 : i32 to index
    %get3A_24 = arith.constant 0 : index
    %get3A_25 = vector.load %arg3[%get3A_23, %get3A_24] : memref<2304x768xf32, #tpu.memory_space<vmem>>, vector<64x768xf32>
    %dot_general3A_26 = arith.constant dense<0.000000e+00> : vector<512x64xf32>
    %dot_general3A_27 = tpu.matmul %get3A_5, %get3A_25, %dot_general3A_26 {dimension_numbers = #tpu.dot_dimension_numbers<[1], [1], [0], [0], [0, 0, 1, 0], [], []>, transpose_lhs_hint = false} : vector<512x768xf32>, vector<64x768xf32>, vector<512x64xf32> -> vector<512x64xf32>
    %swap3A = arith.constant 0 : index
    %swap3A_28 = arith.constant 0 : index
    %swap3A_29 = arith.constant 0 : index
    %swap3A_30 = vector.load %arg6[%swap3A, %swap3A_28, %swap3A_29] : memref<1x512x64xf32, #tpu.memory_space<vmem>>, vector<1x512x64xf32>
    %swap3A_31 = vector.shape_cast %swap3A_30 : vector<1x512x64xf32> to vector<512x64xf32>
    %swap3A_32 = vector.shape_cast %dot_general3A_10 : vector<512x64xf32> to vector<1x512x64xf32>
    tpu.vector_store %arg6[%swap3A, %swap3A_28, %swap3A_29], %swap3A_32 {strides = array<i32>} : memref<1x512x64xf32, #tpu.memory_space<vmem>>, vector<1x512x64xf32>,
    %swap3A_33 = arith.constant 0 : index
    %swap3A_34 = arith.constant 0 : index
    %swap3A_35 = arith.constant 0 : index
    %swap3A_36 = vector.load %arg7[%swap3A_33, %swap3A_34, %swap3A_35] : memref<1x512x64xf32, #tpu.memory_space<vmem>>, vector<1x512x64xf32>
    %swap3A_37 = vector.shape_cast %swap3A_36 : vector<1x512x64xf32> to vector<512x64xf32>
    %swap3A_38 = vector.shape_cast %dot_general3A_18 : vector<512x64xf32> to vector<1x512x64xf32>
    tpu.vector_store %arg7[%swap3A_33, %swap3A_34, %swap3A_35], %swap3A_38 {strides = array<i32>} : memref<1x512x64xf32, #tpu.memory_space<vmem>>, vector<1x512x64xf32>,
    %swap3A_39 = arith.constant 0 : index
    %swap3A_40 = arith.constant 0 : index
    %swap3A_41 = arith.constant 0 : index
    %swap3A_42 = vector.load %arg8[%swap3A_39, %swap3A_40, %swap3A_41] : memref<1x512x64xf32, #tpu.memory_space<vmem>>, vector<1x512x64xf32>
    %swap3A_43 = vector.shape_cast %swap3A_42 : vector<1x512x64xf32> to vector<512x64xf32>
    %swap3A_44 = vector.shape_cast %dot_general3A_27 : vector<512x64xf32> to vector<1x512x64xf32>
    tpu.vector_store %arg8[%swap3A_39, %swap3A_40, %swap3A_41], %swap3A_44 {strides = array<i32>} : memref<1x512x64xf32, #tpu.memory_space<vmem>>, vector<1x512x64xf32>,
    %mul3A_45 = arith.constant 512 : i32
    %mul3A_46 = arith.muli %arg0, %mul3A_45 : i32
    %iota3A = tpu.iota {dimensions = array<i32: 1>} : vector<1x512xi32>
    %add3A_47 = vector.broadcast %mul3A_46 : i32 to vector<1x512xi32>
    %add3A_48 = arith.addi %add3A_47, %iota3A : vector<1x512xi32>
    %gt3A = arith.constant 0 : i32
    %gt3A_49 = vector.broadcast %gt3A : i32 to vector<1x512xi32>
    %gt3A_50 = arith.cmpi sgt, %add3A_48, %gt3A_49 : vector<1x512xi32>
    %get3A_51 = arith.index_cast %arg1 : i32 to index
    %get3A_52 = arith.constant 0 : index
    %get3A_53 = arith.constant 0 : index
    %get3A_54 = vector.load %arg4[%get3A_51, %get3A_52, %get3A_53] : memref<12x512x64xf32, #tpu.memory_space<vmem>>, vector<1x512x64xf32>
    %get3A_55 = vector.shape_cast %get3A_54 : vector<1x512x64xf32> to vector<512x64xf32>
    %mul3A_56 = arith.constant 512 : i32
    %mul3A_57 = arith.muli %arg1, %mul3A_56 : i32
    %broadcast_in_dim3A = arith.constant 1.000000e+00 : f32
    %broadcast_in_dim3A_58 = vector.broadcast %broadcast_in_dim3A : f32 to vector<1x64xf32>
    %mul3A_59 = arith.mulf %dot_general3A_10, %dot_general3A_10 : vector<512x64xf32>
    %dot_general3A_60 = arith.constant dense<0.000000e+00> : vector<1x512xf32>
    %dot_general3A_61 = tpu.matmul %broadcast_in_dim3A_58, %mul3A_59, %dot_general3A_60 {dimension_numbers = #tpu.dot_dimension_numbers<[1], [1], [0], [0], [0, 0, 1, 0], [], []>, precision = #tpu.contract_precision<fp32>, transpose_lhs_hint = false} : vector<1x64xf32>, vector<512x64xf32>, vector<1x512xf32> -> vector<1x512xf32>
    %mul3A_62 = arith.mulf %get3A_55, %get3A_55 : vector<512x64xf32>
    %reduce_sum3A = arith.constant dense<0.000000e+00> : vector<512xf32>
    %reduce_sum3A_63 = vector.multi_reduction <add>, %mul3A_62, %reduce_sum3A [1] : vector<512x64xf32> to vector<512xf32>
    %broadcast_in_dim3A_64 = vector.shape_cast %reduce_sum3A_63 : vector<512xf32> to vector<512x1xf32>
    %dot_general3A_65 = arith.constant dense<0.000000e+00> : vector<512x512xf32>
    %dot_general3A_66 = tpu.matmul %get3A_55, %dot_general3A_10, %dot_general3A_65 {dimension_numbers = #tpu.dot_dimension_numbers<[1], [1], [0], [0], [0, 0, 1, 0], [], []>, transpose_lhs_hint = false} : vector<512x64xf32>, vector<512x64xf32>, vector<512x512xf32> -> vector<512x512xf32>
    %mul3A_67 = arith.constant 2.000000e+00 : f32
    %mul3A_68 = vector.broadcast %mul3A_67 : f32 to vector<512x512xf32>
    %mul3A_69 = arith.mulf %mul3A_68, %dot_general3A_66 : vector<512x512xf32>
    %sub3A = vector.broadcast %dot_general3A_61 : vector<1x512xf32> to vector<512x512xf32>
    %sub3A_70 = arith.subf %sub3A, %mul3A_69 : vector<512x512xf32>
    %add3A_71 = vector.broadcast %broadcast_in_dim3A_64 : vector<512x1xf32> to vector<512x512xf32>
    %add3A_72 = arith.addf %sub3A_70, %add3A_71 : vector<512x512xf32>
    %reduce_min3A = arith.constant dense<0x7F800000> : vector<512xf32>
    %reduce_min3A_73 = vector.multi_reduction <minimumf>, %add3A_72, %reduce_min3A [0] : vector<512x512xf32> to vector<512xf32>
    %broadcast_in_dim3A_74 = vector.shape_cast %reduce_min3A_73 : vector<512xf32> to vector<1x512xf32>
    %iota3A_75 = tpu.iota {dimensions = array<i32: 0>} : vector<512x512xi32>
    %eq3A_76 = vector.broadcast %broadcast_in_dim3A_74 : vector<1x512xf32> to vector<512x512xf32>
    %eq3A_77 = arith.cmpf oeq, %add3A_72, %eq3A_76 : vector<512x512xf32>
    %jit3A = arith.constant 512 : i32
    %broadcast_in_dim3A_78 = vector.broadcast %jit3A : i32 to vector<512x512xi32>
    %select_n3A = arith.select %eq3A_77, %iota3A_75, %broadcast_in_dim3A_78 : vector<512x512xi1>, vector<512x512xi32>
    %reduce_min3A_79 = arith.constant dense<2147483647> : vector<512xi32>
    %reduce_min3A_80 = vector.multi_reduction <minsi>, %select_n3A, %reduce_min3A_79 [0] : vector<512x512xi32> to vector<512xi32>
    %broadcast_in_dim3A_81 = vector.shape_cast %reduce_min3A_80 : vector<512xi32> to vector<1x512xi32>
    %jit3A_82 = arith.constant 0.000000e+00 : f32
    %broadcast_in_dim3A_83 = vector.broadcast %jit3A_82 : f32 to vector<1x512xf32>
    %select_n3A_84 = arith.select %gt3A_50, %broadcast_in_dim3A_74, %broadcast_in_dim3A_83 : vector<1x512xi1>, vector<1x512xf32>
    %reduce_sum3A_85 = vector.shape_cast %select_n3A_84 : vector<1x512xf32> to vector<1x1x512xf32>
    %reduce_sum3A_86 = arith.constant dense<0.000000e+00> : vector<1xf32>
    %reduce_sum3A_87 = vector.multi_reduction <add>, %reduce_sum3A_85, %reduce_sum3A_86 [1, 2] : vector<1x1x512xf32> to vector<1xf32>
    %reduce_sum3A_88 = vector.shape_cast %reduce_sum3A_87 : vector<1xf32> to vector<1x1x1xf32>
    %reduce_sum3A_89 = vector.extract %reduce_sum3A_88[0, 0, 0] : f32 from vector<1x1x1xf32>
    %add3A_90 = vector.broadcast %mul3A_57 : i32 to vector<1x512xi32>
    %add3A_91 = arith.addi %broadcast_in_dim3A_81, %add3A_90 : vector<1x512xi32>
    %get3A_92 = arith.index_cast %arg1 : i32 to index
    %get3A_93 = arith.constant 0 : index
    %get3A_94 = arith.constant 0 : index
    %get3A_95 = vector.load %arg5[%get3A_92, %get3A_93, %get3A_94] : memref<12x512x64xf32, #tpu.memory_space<vmem>>, vector<1x512x64xf32>
    %get3A_96 = vector.shape_cast %get3A_95 : vector<1x512x64xf32> to vector<512x64xf32>
    %add3A_97 = arith.constant 12 : i32
    %add3A_98 = arith.addi %add3A_97, %arg1 : i32
    %mul3A_99 = arith.constant 512 : i32
    %mul3A_100 = arith.muli %add3A_98, %mul3A_99 : i32
    %broadcast_in_dim3A_101 = arith.constant 1.000000e+00 : f32
    %broadcast_in_dim3A_102 = vector.broadcast %broadcast_in_dim3A_101 : f32 to vector<1x64xf32>
    %mul3A_103 = arith.mulf %dot_general3A_18, %dot_general3A_18 : vector<512x64xf32>
    %dot_general3A_104 = arith.constant dense<0.000000e+00> : vector<1x512xf32>
    %dot_general3A_105 = tpu.matmul %broadcast_in_dim3A_102, %mul3A_103, %dot_general3A_104 {dimension_numbers = #tpu.dot_dimension_numbers<[1], [1], [0], [0], [0, 0, 1, 0], [], []>, precision = #tpu.contract_precision<fp32>, transpose_lhs_hint = false} : vector<1x64xf32>, vector<512x64xf32>, vector<1x512xf32> -> vector<1x512xf32>
    %mul3A_106 = arith.mulf %get3A_96, %get3A_96 : vector<512x64xf32>
    %reduce_sum3A_107 = arith.constant dense<0.000000e+00> : vector<512xf32>
    %reduce_sum3A_108 = vector.multi_reduction <add>, %mul3A_106, %reduce_sum3A_107 [1] : vector<512x64xf32> to vector<512xf32>
    %broadcast_in_dim3A_109 = vector.shape_cast %reduce_sum3A_108 : vector<512xf32> to vector<512x1xf32>
    %dot_general3A_110 = arith.constant dense<0.000000e+00> : vector<512x512xf32>
    %dot_general3A_111 = tpu.matmul %get3A_96, %dot_general3A_18, %dot_general3A_110 {dimension_numbers = #tpu.dot_dimension_numbers<[1], [1], [0], [0], [0, 0, 1, 0], [], []>, transpose_lhs_hint = false} : vector<512x64xf32>, vector<512x64xf32>, vector<512x512xf32> -> vector<512x512xf32>
    %mul3A_112 = arith.constant 2.000000e+00 : f32
    %mul3A_113 = vector.broadcast %mul3A_112 : f32 to vector<512x512xf32>
    %mul3A_114 = arith.mulf %mul3A_113, %dot_general3A_111 : vector<512x512xf32>
    %sub3A_115 = vector.broadcast %dot_general3A_105 : vector<1x512xf32> to vector<512x512xf32>
    %sub3A_116 = arith.subf %sub3A_115, %mul3A_114 : vector<512x512xf32>
    %add3A_117 = vector.broadcast %broadcast_in_dim3A_109 : vector<512x1xf32> to vector<512x512xf32>
    %add3A_118 = arith.addf %sub3A_116, %add3A_117 : vector<512x512xf32>
    %reduce_min3A_119 = arith.constant dense<0x7F800000> : vector<512xf32>
    %reduce_min3A_120 = vector.multi_reduction <minimumf>, %add3A_118, %reduce_min3A_119 [0] : vector<512x512xf32> to vector<512xf32>
    %broadcast_in_dim3A_121 = vector.shape_cast %reduce_min3A_120 : vector<512xf32> to vector<1x512xf32>
    %iota3A_122 = tpu.iota {dimensions = array<i32: 0>} : vector<512x512xi32>
    %eq3A_123 = vector.broadcast %broadcast_in_dim3A_121 : vector<1x512xf32> to vector<512x512xf32>
    %eq3A_124 = arith.cmpf oeq, %add3A_118, %eq3A_123 : vector<512x512xf32>
    %jit3A_125 = arith.constant 512 : i32
    %broadcast_in_dim3A_126 = vector.broadcast %jit3A_125 : i32 to vector<512x512xi32>
    %select_n3A_127 = arith.select %eq3A_124, %iota3A_122, %broadcast_in_dim3A_126 : vector<512x512xi1>, vector<512x512xi32>
    %reduce_min3A_128 = arith.constant dense<2147483647> : vector<512xi32>
    %reduce_min3A_129 = vector.multi_reduction <minsi>, %select_n3A_127, %reduce_min3A_128 [0] : vector<512x512xi32> to vector<512xi32>
    %broadcast_in_dim3A_130 = vector.shape_cast %reduce_min3A_129 : vector<512xi32> to vector<1x512xi32>
    %jit3A_131 = arith.constant 0.000000e+00 : f32
    %broadcast_in_dim3A_132 = vector.broadcast %jit3A_131 : f32 to vector<1x512xf32>
    %select_n3A_133 = arith.select %gt3A_50, %broadcast_in_dim3A_121, %broadcast_in_dim3A_132 : vector<1x512xi1>, vector<1x512xf32>
    %reduce_sum3A_134 = vector.shape_cast %select_n3A_133 : vector<1x512xf32> to vector<1x1x512xf32>
    %reduce_sum3A_135 = arith.constant dense<0.000000e+00> : vector<1xf32>
    %reduce_sum3A_136 = vector.multi_reduction <add>, %reduce_sum3A_134, %reduce_sum3A_135 [1, 2] : vector<1x1x512xf32> to vector<1xf32>
    %reduce_sum3A_137 = vector.shape_cast %reduce_sum3A_136 : vector<1xf32> to vector<1x1x1xf32>
    %reduce_sum3A_138 = vector.extract %reduce_sum3A_137[0, 0, 0] : f32 from vector<1x1x1xf32>
    %add3A_139 = vector.broadcast %mul3A_100 : i32 to vector<1x512xi32>
    %add3A_140 = arith.addi %broadcast_in_dim3A_130, %add3A_139 : vector<1x512xi32>
    %swap3A_141 = arith.constant 0 : index
    %swap3A_142 = arith.constant 0 : index
    %swap3A_143 = arith.constant 0 : index
    %swap3A_144 = vector.load %arg9[%swap3A_141, %swap3A_142, %swap3A_143] : memref<1x1x512xi32, #tpu.memory_space<vmem>>, vector<1x1x512xi32>
    %swap3A_145 = vector.shape_cast %swap3A_144 : vector<1x1x512xi32> to vector<1x512xi32>
    %swap3A_146 = vector.shape_cast %add3A_91 : vector<1x512xi32> to vector<1x1x512xi32>
    tpu.vector_store %arg9[%swap3A_141, %swap3A_142, %swap3A_143], %swap3A_146 {strides = array<i32>} : memref<1x1x512xi32, #tpu.memory_space<vmem>>, vector<1x1x512xi32>,
    %swap3A_147 = arith.constant 0 : index
    %swap3A_148 = arith.constant 0 : index
    %swap3A_149 = arith.constant 0 : index
    %swap3A_150 = vector.load %arg10[%swap3A_147, %swap3A_148, %swap3A_149] : memref<1x1x512xi32, #tpu.memory_space<vmem>>, vector<1x1x512xi32>
    %swap3A_151 = vector.shape_cast %swap3A_150 : vector<1x1x512xi32> to vector<1x512xi32>
    %swap3A_152 = vector.shape_cast %add3A_140 : vector<1x512xi32> to vector<1x1x512xi32>
    tpu.vector_store %arg10[%swap3A_147, %swap3A_148, %swap3A_149], %swap3A_152 {strides = array<i32>} : memref<1x1x512xi32, #tpu.memory_space<vmem>>, vector<1x1x512xi32>,
    %get3A_153 = arith.constant 0 : index
    %get3A_154 = arith.constant 0 : index
    %get3A_155 = memref.load %arg11[%get3A_153, %get3A_154] : memref<1x1xf32, #tpu.memory_space<smem>>
    %add3A_156 = arith.addf %get3A_155, %reduce_sum3A_89 : f32
    %swap3A_157 = arith.constant 0 : index
    %swap3A_158 = arith.constant 0 : index
    %swap3A_159 = memref.load %arg11[%swap3A_157, %swap3A_158] : memref<1x1xf32, #tpu.memory_space<smem>>
    memref.store %add3A_156, %arg11[%swap3A_157, %swap3A_158] : memref<1x1xf32, #tpu.memory_space<smem>>
    %get3A_160 = arith.constant 0 : index
    %get3A_161 = arith.constant 0 : index
    %get3A_162 = memref.load %arg12[%get3A_160, %get3A_161] : memref<1x1xf32, #tpu.memory_space<smem>>
    %add3A_163 = arith.addf %get3A_162, %reduce_sum3A_138 : f32
    %swap3A_164 = arith.constant 0 : index
    %swap3A_165 = arith.constant 0 : index
    %swap3A_166 = memref.load %arg12[%swap3A_164, %swap3A_165] : memref<1x1xf32, #tpu.memory_space<smem>>
    memref.store %add3A_163, %arg12[%swap3A_164, %swap3A_165] : memref<1x1xf32, #tpu.memory_space<smem>>
    return
  }
  func.func @transform_0(%arg0: i32, %arg1: i32) -> (i32, i32) {
    %c0_i32 = arith.constant 0 : i32
    %c0_i32_0 = arith.constant 0 : i32
    return %arg0, %c0_i32 : i32, i32
  }
  func.func @transform_1(%arg0: i32, %arg1: i32) -> (i32, i32) {
    %c0_i32 = arith.constant 0 : i32
    %c0_i32_0 = arith.constant 0 : i32
    %c0_i32_1 = arith.constant 0 : i32
    return %c0_i32, %c0_i32_0 : i32, i32
  }
  func.func @transform_2(%arg0: i32, %arg1: i32) -> (i32, i32, i32) {
    %c0_i32 = arith.constant 0 : i32
    %c0_i32_0 = arith.constant 0 : i32
    %c0_i32_1 = arith.constant 0 : i32
    %c0_i32_2 = arith.constant 0 : i32
    return %c0_i32, %c0_i32_0, %c0_i32_1 : i32, i32, i32
  }
  func.func @transform_3(%arg0: i32, %arg1: i32) -> (i32, i32, i32) {
    %c0_i32 = arith.constant 0 : i32
    %c0_i32_0 = arith.constant 0 : i32
    %c0_i32_1 = arith.constant 0 : i32
    %c0_i32_2 = arith.constant 0 : i32
    return %c0_i32, %c0_i32_0, %c0_i32_1 : i32, i32, i32
  }
  func.func @transform_4(%arg0: i32, %arg1: i32) -> (i32, i32, i32) {
    %c0_i32 = arith.constant 0 : i32
    %c0_i32_0 = arith.constant 0 : i32
    return %arg1, %arg0, %c0_i32 : i32, i32, i32
  }
  func.func @transform_5(%arg0: i32, %arg1: i32) -> (i32, i32, i32) {
    %c0_i32 = arith.constant 0 : i32
    %c0_i32_0 = arith.constant 0 : i32
    return %arg1, %arg0, %c0_i32 : i32, i32, i32
  }
  func.func @transform_6(%arg0: i32, %arg1: i32) -> (i32, i32, i32) {
    %c0_i32 = arith.constant 0 : i32
    %c0_i32_0 = arith.constant 0 : i32
    return %arg1, %arg0, %c0_i32 : i32, i32, i32
  }
  func.func @transform_7(%arg0: i32, %arg1: i32) -> (i32, i32, i32) {
    %c0_i32 = arith.constant 0 : i32
    %c0_i32_0 = arith.constant 0 : i32
    return %arg1, %c0_i32, %arg0 : i32, i32, i32
  }
  func.func @transform_8(%arg0: i32, %arg1: i32) -> (i32, i32, i32) {
    %c0_i32 = arith.constant 0 : i32
    %c0_i32_0 = arith.constant 0 : i32
    return %arg1, %c0_i32, %arg0 : i32, i32, i32
  }
  func.func @transform_9(%arg0: i32, %arg1: i32) -> (i32, i32) {
    %c0_i32 = arith.constant 0 : i32
    %c0_i32_0 = arith.constant 0 : i32
    %c0_i32_1 = arith.constant 0 : i32
    return %c0_i32, %c0_i32_0 : i32, i32
  }
  func.func @transform_10(%arg0: i32, %arg1: i32) -> (i32, i32) {
    %c0_i32 = arith.constant 0 : i32
    %c0_i32_0 = arith.constant 0 : i32
    %c0_i32_1 = arith.constant 0 : i32
    return %c0_i32, %c0_i32_0 : i32, i32
  }
}

module attributes {stable_mosaic.version = 14 : i64} {
  func.func @_stage3(%arg0: i32, %arg1: i32, %arg2: memref<1x512x64xf32, #tpu.memory_space<vmem>>, %arg3: memref<1x2048x64xf32, #tpu.memory_space<vmem>>, %arg4: memref<1x2048x64xf32, #tpu.memory_space<vmem>>, %arg5: memref<1x512x64xf32, #tpu.memory_space<vmem>>, %arg6: memref<1x2048x64xf32, #tpu.memory_space<vmem>>, %arg7: memref<64x768xf32, #tpu.memory_space<vmem>>, %arg8: memref<2048x768xf32, #tpu.memory_space<vmem>>, %arg9: memref<1x1xf32, #tpu.memory_space<smem>>, %arg10: memref<512x2048xf32, #tpu.memory_space<vmem>>, %arg11: memref<2048x64xf32, #tpu.memory_space<vmem>>) attributes {dimension_semantics = [#tpu.dimension_semantics<arbitrary>, #tpu.dimension_semantics<arbitrary>], iteration_bounds = array<i64: 12, 4>, scalar_prefetch = 0 : i64, scratch_operands = 2 : i64, tpu.core_type = #tpu.core_type<tc>, window_params = [{transform_indices = @transform_0, window_bounds = array<i64: 1, 512, 64>}, {transform_indices = @transform_1, window_bounds = array<i64: 1, 2048, 64>}, {transform_indices = @transform_2, window_bounds = array<i64: 1, 2048, 64>}, {transform_indices = @transform_3, window_bounds = array<i64: 1, 512, 64>}, {transform_indices = @transform_4, window_bounds = array<i64: 1, 2048, 64>}, {transform_indices = @transform_5, window_bounds = array<i64: 64, 768>}, {pipeline_mode = #tpu.pipeline_mode<synchronous>, transform_indices = @transform_6, window_bounds = array<i64: 2048, 768>}, {transform_indices = @transform_7, window_bounds = array<i64: 1, 1>}]} {
    %eq3A = arith.constant 0 : i32
    %eq3A_0 = arith.cmpi eq, %arg0, %eq3A : i32
    %eq3A_1 = arith.constant 0 : i32
    %eq3A_2 = arith.cmpi eq, %arg1, %eq3A_1 : i32
    %and3A = arith.andi %eq3A_0, %eq3A_2 : i1
    %convert_element_type3A = arith.extui %and3A : i1 to i32
    %cond3A = arith.constant 0 : i32
    %cond3A_3 = arith.cmpi ne, %convert_element_type3A, %cond3A : i32
    scf.if %cond3A_3 {
      %swap3A_102 = arith.constant 0.000000e+00 : f32
      %swap3A_103 = arith.constant 0 : index
      %swap3A_104 = arith.constant 0 : index
      %swap3A_105 = memref.load %arg9[%swap3A_103, %swap3A_104] : memref<1x1xf32, #tpu.memory_space<smem>>
      memref.store %swap3A_102, %arg9[%swap3A_103, %swap3A_104] : memref<1x1xf32, #tpu.memory_space<smem>>
    } else {
    }
    %mul3A = arith.constant 512 : i32
    %mul3A_4 = arith.muli %arg1, %mul3A : i32
    %get3A = arith.constant 0 : index
    %get3A_5 = arith.constant 0 : index
    %get3A_6 = arith.constant 0 : index
    %get3A_7 = vector.load %arg2[%get3A, %get3A_5, %get3A_6] : memref<1x512x64xf32, #tpu.memory_space<vmem>>, vector<1x512x64xf32>
    %get3A_8 = vector.shape_cast %get3A_7 : vector<1x512x64xf32> to vector<512x64xf32>
    %get3A_9 = arith.constant 0 : index
    %get3A_10 = arith.constant 0 : index
    %get3A_11 = arith.constant 0 : index
    %get3A_12 = vector.load %arg5[%get3A_9, %get3A_10, %get3A_11] : memref<1x512x64xf32, #tpu.memory_space<vmem>>, vector<1x512x64xf32>
    %get3A_13 = vector.shape_cast %get3A_12 : vector<1x512x64xf32> to vector<512x64xf32>
    %iota3A = tpu.iota {dimensions = array<i32: 0>} : vector<512x1xi32>
    %add3A = vector.broadcast %mul3A_4 : i32 to vector<512x1xi32>
    %add3A_14 = arith.addi %add3A, %iota3A : vector<512x1xi32>
    %gt3A = arith.constant 0 : i32
    %gt3A_15 = vector.broadcast %gt3A : i32 to vector<512x1xi32>
    %gt3A_16 = arith.cmpi sgt, %add3A_14, %gt3A_15 : vector<512x1xi32>
    %broadcast_in_dim3A = vector.shape_cast %gt3A_16 : vector<512x1xi1> to vector<512x1xi1>
    %broadcast_in_dim3A_17 = vector.broadcast %broadcast_in_dim3A : vector<512x1xi1> to vector<512x64xi1>
    %select_n3A = arith.select %broadcast_in_dim3A_17, %get3A_13, %get3A_8 : vector<512x64xi1>, vector<512x64xf32>
    %eq3A_18 = arith.constant 0 : i32
    %eq3A_19 = arith.cmpi eq, %arg1, %eq3A_18 : i32
    %convert_element_type3A_20 = arith.extui %eq3A_19 : i1 to i32
    %cond3A_21 = arith.constant 0 : i32
    %cond3A_22 = arith.cmpi ne, %convert_element_type3A_20, %cond3A_21 : i32
    scf.if %cond3A_22 {
      %iota3A_102 = tpu.iota {dimensions = array<i32: 0>} : vector<2048x1xi32>
      %gt3A_103 = arith.constant 0 : i32
      %gt3A_104 = vector.broadcast %gt3A_103 : i32 to vector<2048x1xi32>
      %gt3A_105 = arith.cmpi sgt, %iota3A_102, %gt3A_104 : vector<2048x1xi32>
      %get3A_106 = arith.constant 0 : index
      %get3A_107 = arith.constant 0 : index
      %get3A_108 = arith.constant 0 : index
      %get3A_109 = vector.load %arg6[%get3A_106, %get3A_107, %get3A_108] : memref<1x2048x64xf32, #tpu.memory_space<vmem>>, vector<1x2048x64xf32>
      %get3A_110 = vector.shape_cast %get3A_109 : vector<1x2048x64xf32> to vector<2048x64xf32>
      %get3A_111 = arith.constant 0 : index
      %get3A_112 = arith.constant 0 : index
      %get3A_113 = arith.constant 0 : index
      %get3A_114 = vector.load %arg3[%get3A_111, %get3A_112, %get3A_113] : memref<1x2048x64xf32, #tpu.memory_space<vmem>>, vector<1x2048x64xf32>
      %get3A_115 = vector.shape_cast %get3A_114 : vector<1x2048x64xf32> to vector<2048x64xf32>
      %broadcast_in_dim3A_116 = vector.shape_cast %gt3A_105 : vector<2048x1xi1> to vector<2048x1xi1>
      %broadcast_in_dim3A_117 = vector.broadcast %broadcast_in_dim3A_116 : vector<2048x1xi1> to vector<2048x64xi1>
      %select_n3A_118 = arith.select %broadcast_in_dim3A_117, %get3A_110, %get3A_115 : vector<2048x64xi1>, vector<2048x64xf32>
      %swap3A_119 = arith.constant 0 : index
      %swap3A_120 = arith.constant 0 : index
      %swap3A_121 = vector.load %arg11[%swap3A_119, %swap3A_120] : memref<2048x64xf32, #tpu.memory_space<vmem>>, vector<2048x64xf32>
      tpu.vector_store %arg11[%swap3A_119, %swap3A_120], %select_n3A_118 {strides = array<i32>} : memref<2048x64xf32, #tpu.memory_space<vmem>>, vector<2048x64xf32>,
    } else {
    }
    %get3A_23 = arith.constant 0 : index
    %get3A_24 = arith.constant 0 : index
    %get3A_25 = arith.constant 0 : index
    %get3A_26 = vector.load %arg3[%get3A_23, %get3A_24, %get3A_25] : memref<1x2048x64xf32, #tpu.memory_space<vmem>>, vector<1x2048x64xf32>
    %get3A_27 = vector.shape_cast %get3A_26 : vector<1x2048x64xf32> to vector<2048x64xf32>
    %get3A_28 = arith.constant 0 : index
    %get3A_29 = arith.constant 0 : index
    %get3A_30 = arith.constant 0 : index
    %get3A_31 = vector.load %arg4[%get3A_28, %get3A_29, %get3A_30] : memref<1x2048x64xf32, #tpu.memory_space<vmem>>, vector<1x2048x64xf32>
    %get3A_32 = vector.shape_cast %get3A_31 : vector<1x2048x64xf32> to vector<2048x64xf32>
    %mul3A_33 = arith.constant 1.250000e-01 : f32
    %mul3A_34 = vector.broadcast %mul3A_33 : f32 to vector<512x64xf32>
    %mul3A_35 = arith.mulf %get3A_8, %mul3A_34 : vector<512x64xf32>
    %dot_general3A = arith.constant dense<0.000000e+00> : vector<512x2048xf32>
    %dot_general3A_36 = tpu.matmul %mul3A_35, %get3A_27, %dot_general3A {dimension_numbers = #tpu.dot_dimension_numbers<[1], [1], [0], [0], [0, 0, 1, 0], [], []>, transpose_lhs_hint = false} : vector<512x64xf32>, vector<2048x64xf32>, vector<512x2048xf32> -> vector<512x2048xf32>
    %exp3A = math.exp %dot_general3A_36 : vector<512x2048xf32>
    %broadcast_in_dim3A_37 = arith.constant 1.000000e+00 : f32
    %broadcast_in_dim3A_38 = vector.broadcast %broadcast_in_dim3A_37 : f32 to vector<1x2048xf32>
    %dot_general3A_39 = arith.constant dense<0.000000e+00> : vector<512x1xf32>
    %dot_general3A_40 = tpu.matmul %exp3A, %broadcast_in_dim3A_38, %dot_general3A_39 {dimension_numbers = #tpu.dot_dimension_numbers<[1], [1], [0], [0], [0, 0, 1, 0], [], []>, transpose_lhs_hint = false} : vector<512x2048xf32>, vector<1x2048xf32>, vector<512x1xf32> -> vector<512x1xf32>
    %mul3A_41 = arith.mulf %exp3A, %dot_general3A_36 : vector<512x2048xf32>
    %reduce_sum3A = arith.constant dense<0.000000e+00> : vector<512xf32>
    %reduce_sum3A_42 = vector.multi_reduction <add>, %mul3A_41, %reduce_sum3A [1] : vector<512x2048xf32> to vector<512xf32>
    %broadcast_in_dim3A_43 = vector.shape_cast %reduce_sum3A_42 : vector<512xf32> to vector<512x1xf32>
    %swap3A = arith.constant 0 : index
    %swap3A_44 = arith.constant 0 : index
    %swap3A_45 = vector.load %arg10[%swap3A, %swap3A_44] : memref<512x2048xf32, #tpu.memory_space<vmem>>, vector<512x2048xf32>
    tpu.vector_store %arg10[%swap3A, %swap3A_44], %exp3A {strides = array<i32>} : memref<512x2048xf32, #tpu.memory_space<vmem>>, vector<512x2048xf32>,
    %mul3A_46 = arith.constant 1.250000e-01 : f32
    %mul3A_47 = vector.broadcast %mul3A_46 : f32 to vector<512x64xf32>
    %mul3A_48 = arith.mulf %select_n3A, %mul3A_47 : vector<512x64xf32>
    %get3A_49 = arith.constant 0 : index
    %get3A_50 = arith.constant 0 : index
    %get3A_51 = vector.load %arg11[%get3A_49, %get3A_50] : memref<2048x64xf32, #tpu.memory_space<vmem>>, vector<2048x64xf32>
    %dot_general3A_52 = arith.constant dense<0.000000e+00> : vector<512x2048xf32>
    %dot_general3A_53 = tpu.matmul %mul3A_48, %get3A_51, %dot_general3A_52 {dimension_numbers = #tpu.dot_dimension_numbers<[1], [1], [0], [0], [0, 0, 1, 0], [], []>, transpose_lhs_hint = false} : vector<512x64xf32>, vector<2048x64xf32>, vector<512x2048xf32> -> vector<512x2048xf32>
    %exp3A_54 = math.exp %dot_general3A_53 : vector<512x2048xf32>
    %reduce_sum3A_55 = arith.constant dense<0.000000e+00> : vector<512xf32>
    %reduce_sum3A_56 = vector.multi_reduction <add>, %exp3A_54, %reduce_sum3A_55 [1] : vector<512x2048xf32> to vector<512xf32>
    %broadcast_in_dim3A_57 = vector.shape_cast %reduce_sum3A_56 : vector<512xf32> to vector<512x1xf32>
    %get3A_58 = arith.constant 0 : index
    %get3A_59 = arith.constant 0 : index
    %get3A_60 = vector.load %arg10[%get3A_58, %get3A_59] : memref<512x2048xf32, #tpu.memory_space<vmem>>, vector<512x2048xf32>
    %mul3A_61 = arith.mulf %get3A_60, %exp3A_54 : vector<512x2048xf32>
    %reduce_sum3A_62 = arith.constant dense<0.000000e+00> : vector<512xf32>
    %reduce_sum3A_63 = vector.multi_reduction <add>, %mul3A_61, %reduce_sum3A_62 [1] : vector<512x2048xf32> to vector<512xf32>
    %broadcast_in_dim3A_64 = vector.shape_cast %reduce_sum3A_63 : vector<512xf32> to vector<512x1xf32>
    %dot_general3A_65 = arith.constant dense<0.000000e+00> : vector<512x64xf32>
    %dot_general3A_66 = tpu.matmul %exp3A_54, %get3A_32, %dot_general3A_65 {dimension_numbers = #tpu.dot_dimension_numbers<[1], [0], [0], [1], [0, 0, 1, 1], [], []>, transpose_lhs_hint = false} : vector<512x2048xf32>, vector<2048x64xf32>, vector<512x64xf32> -> vector<512x64xf32>
    %div3A = arith.constant 1.000000e+00 : f32
    %div3A_67 = vector.broadcast %div3A : f32 to vector<512x1xf32>
    %div3A_68 = arith.divf %div3A_67, %broadcast_in_dim3A_57 : vector<512x1xf32>
    %mul3A_69 = vector.broadcast %div3A_68 : vector<512x1xf32> to vector<512x64xf32>
    %mul3A_70 = arith.mulf %dot_general3A_66, %mul3A_69 : vector<512x64xf32>
    %get3A_71 = arith.constant 0 : index
    %get3A_72 = arith.constant 0 : index
    %get3A_73 = memref.load %arg9[%get3A_71, %get3A_72] : memref<1x1xf32, #tpu.memory_space<smem>>
    %div3A_74 = arith.divf %broadcast_in_dim3A_43, %dot_general3A_40 : vector<512x1xf32>
    %log3A = math.log %dot_general3A_40 : vector<512x1xf32>
    %sub3A = arith.subf %div3A_74, %log3A : vector<512x1xf32>
    %mul3A_75 = arith.mulf %dot_general3A_40, %broadcast_in_dim3A_57 : vector<512x1xf32>
    %div3A_76 = arith.divf %broadcast_in_dim3A_64, %mul3A_75 : vector<512x1xf32>
    %sub3A_77 = arith.subf %sub3A, %div3A_76 : vector<512x1xf32>
    %reduce_sum3A_78 = vector.shape_cast %sub3A_77 : vector<512x1xf32> to vector<1x512x1xf32>
    %reduce_sum3A_79 = arith.constant dense<0.000000e+00> : vector<1xf32>
    %reduce_sum3A_80 = vector.multi_reduction <add>, %reduce_sum3A_78, %reduce_sum3A_79 [1, 2] : vector<1x512x1xf32> to vector<1xf32>
    %reduce_sum3A_81 = vector.shape_cast %reduce_sum3A_80 : vector<1xf32> to vector<1x1x1xf32>
    %reduce_sum3A_82 = vector.extract %reduce_sum3A_81[0, 0, 0] : f32 from vector<1x1x1xf32>
    %add3A_83 = arith.addf %get3A_73, %reduce_sum3A_82 : f32
    %swap3A_84 = arith.constant 0 : index
    %swap3A_85 = arith.constant 0 : index
    %swap3A_86 = memref.load %arg9[%swap3A_84, %swap3A_85] : memref<1x1xf32, #tpu.memory_space<smem>>
    memref.store %add3A_83, %arg9[%swap3A_84, %swap3A_85] : memref<1x1xf32, #tpu.memory_space<smem>>
    %get3A_87 = arith.constant 0 : index
    %get3A_88 = arith.constant 0 : index
    %get3A_89 = vector.load %arg7[%get3A_87, %get3A_88] : memref<64x768xf32, #tpu.memory_space<vmem>>, vector<64x768xf32>
    %dot_general3A_90 = arith.constant dense<0.000000e+00> : vector<512x768xf32>
    %dot_general3A_91 = tpu.matmul %mul3A_70, %get3A_89, %dot_general3A_90 {dimension_numbers = #tpu.dot_dimension_numbers<[1], [0], [0], [1], [0, 0, 1, 1], [], []>, transpose_lhs_hint = false} : vector<512x64xf32>, vector<64x768xf32>, vector<512x768xf32> -> vector<512x768xf32>
    %eq3A_92 = arith.constant 0 : i32
    %eq3A_93 = arith.cmpi eq, %arg0, %eq3A_92 : i32
    %convert_element_type3A_94 = arith.extui %eq3A_93 : i1 to i32
    %cond3A_95 = arith.constant 0 : i32
    %cond3A_96 = arith.cmpi ne, %convert_element_type3A_94, %cond3A_95 : i32
    scf.if %cond3A_96 {
      %swap3A_102 = arith.index_cast %mul3A_4 : i32 to index
      %swap3A_103 = arith.constant 0 : index
      %swap3A_104 = vector.load %arg8[%swap3A_102, %swap3A_103] : memref<2048x768xf32, #tpu.memory_space<vmem>>, vector<512x768xf32>
      tpu.vector_store %arg8[%swap3A_102, %swap3A_103], %dot_general3A_91 {strides = array<i32>} : memref<2048x768xf32, #tpu.memory_space<vmem>>, vector<512x768xf32>,
    } else {
    }
    %gt3A_97 = arith.constant 0 : i32
    %gt3A_98 = arith.cmpi sgt, %arg0, %gt3A_97 : i32
    %convert_element_type3A_99 = arith.extui %gt3A_98 : i1 to i32
    %cond3A_100 = arith.constant 0 : i32
    %cond3A_101 = arith.cmpi ne, %convert_element_type3A_99, %cond3A_100 : i32
    scf.if %cond3A_101 {
      %get3A_102 = arith.index_cast %mul3A_4 : i32 to index
      %get3A_103 = arith.constant 0 : index
      %get3A_104 = vector.load %arg8[%get3A_102, %get3A_103] : memref<2048x768xf32, #tpu.memory_space<vmem>>, vector<512x768xf32>
      %add3A_105 = arith.addf %get3A_104, %dot_general3A_91 : vector<512x768xf32>
      %swap3A_106 = arith.index_cast %mul3A_4 : i32 to index
      %swap3A_107 = arith.constant 0 : index
      %swap3A_108 = vector.load %arg8[%swap3A_106, %swap3A_107] : memref<2048x768xf32, #tpu.memory_space<vmem>>, vector<512x768xf32>
      tpu.vector_store %arg8[%swap3A_106, %swap3A_107], %add3A_105 {strides = array<i32>} : memref<2048x768xf32, #tpu.memory_space<vmem>>, vector<512x768xf32>,
    } else {
    }
    return
  }
  func.func @transform_0(%arg0: i32, %arg1: i32) -> (i32, i32, i32) {
    %c0_i32 = arith.constant 0 : i32
    %c0_i32_0 = arith.constant 0 : i32
    return %arg0, %arg1, %c0_i32 : i32, i32, i32
  }
  func.func @transform_1(%arg0: i32, %arg1: i32) -> (i32, i32, i32) {
    %c0_i32 = arith.constant 0 : i32
    %c0_i32_0 = arith.constant 0 : i32
    %c0_i32_1 = arith.constant 0 : i32
    return %arg0, %c0_i32, %c0_i32_0 : i32, i32, i32
  }
  func.func @transform_2(%arg0: i32, %arg1: i32) -> (i32, i32, i32) {
    %c0_i32 = arith.constant 0 : i32
    %c0_i32_0 = arith.constant 0 : i32
    %c0_i32_1 = arith.constant 0 : i32
    return %arg0, %c0_i32, %c0_i32_0 : i32, i32, i32
  }
  func.func @transform_3(%arg0: i32, %arg1: i32) -> (i32, i32, i32) {
    %c0_i32 = arith.constant 0 : i32
    %c0_i32_0 = arith.constant 0 : i32
    return %arg0, %arg1, %c0_i32 : i32, i32, i32
  }
  func.func @transform_4(%arg0: i32, %arg1: i32) -> (i32, i32, i32) {
    %c0_i32 = arith.constant 0 : i32
    %c0_i32_0 = arith.constant 0 : i32
    %c0_i32_1 = arith.constant 0 : i32
    return %arg0, %c0_i32, %c0_i32_0 : i32, i32, i32
  }
  func.func @transform_5(%arg0: i32, %arg1: i32) -> (i32, i32) {
    %c0_i32 = arith.constant 0 : i32
    %c0_i32_0 = arith.constant 0 : i32
    return %arg0, %c0_i32 : i32, i32
  }
  func.func @transform_6(%arg0: i32, %arg1: i32) -> (i32, i32) {
    %c0_i32 = arith.constant 0 : i32
    %c0_i32_0 = arith.constant 0 : i32
    %c0_i32_1 = arith.constant 0 : i32
    return %c0_i32, %c0_i32_0 : i32, i32
  }
  func.func @transform_7(%arg0: i32, %arg1: i32) -> (i32, i32) {
    %c0_i32 = arith.constant 0 : i32
    %c0_i32_0 = arith.constant 0 : i32
    %c0_i32_1 = arith.constant 0 : i32
    return %c0_i32, %c0_i32_0 : i32, i32
  }
}

</mosaic_0001>

<sc_bundles>
// kernel: kernel.5.cloned.1.call-start
scs
__scs_entry_jumppad:
0x0: {  	(pc) =	sbr.rel $0x88, $3  }
0x1: {  	(tag) =	ssettag $0x0;
	lr =	simm.s32 $0x1  }
0x2: {  	[smem:$0x3F9B] =	sst lr;
	_ =	strace $0xD0000000  }
0x3: {  	_ = 	snop  }
0x4: {  	_ = 	snop  }
0x5: {  	_ = 	snop  }
0x6: {  	_ = 	snop  }
0x7: {  	_ = 	snop  }
__scs_overlays_trampoline_lowered:
0x8: {  	[smem:$0x3FAA] =	sst s0  }
0x9: {  	[smem:$0x3FAB] =	sst s1  }
0xa: {  	[smem:$0x3FAC] =	sst s2  }
0xb: {  	[smem:$0x3FAD] =	sst s3  }
0xc: {  	[smem:$0x3FAE] =	sst s4  }
0xd: {  	[smem:$0x3FAF] =	sst s5  }
0xe: {  	[smem:$0x3FB0] =	sst s6  }
0xf: {  	[smem:$0x3FB1] =	sst s7  }
0x10: {  	[smem:$0x3FB2] =	sst s8  }
0x11: {  	[smem:$0x3FB3] =	sst s9;
	s0 =	simm.s32 @!p0 $0x0  }
0x12: {  	s1 =	sld [smem:$0x3F99];
	s0 =	simm.s32 @p0 $0x1  }
0x13: {  	[smem:$0x3FB4] =	sst s0;
	s0 =	simm.s32 @!p1 $0x0  }
0x14: {  	s2 =	sld [smem:$0x3F98];
	s0 =	simm.s32 @p1 $0x1  }
0x15: {  	[smem:$0x3FB5] =	sst s0;
	s0 =	simm.s32 @!p2 $0x0  }
0x16: {  	s3 =	sld [smem:$0x3FDB];
	s0 =	simm.s32 @p2 $0x1  }
0x17: {  	s4 =	simm.s32 $0x1BF5;
	[smem:$0x3FB7] =	sst s0  }
0x18: {  	s0 =	sld [smem:$0x3F9A];
	_ =	swait.ge [sflag:s4], $0x0  }
0x19: {  	s7 =	sld [smem:$0x3F9B]  }
0x1a: {  	s8 =	sadd.s32 $0xFFFFE003, lr  }
0x1b: {  	s9 =	sadd.s32 $0xFFFFFEF7, lr;
	s5 =	simm.s32 $0xFFFFFFFF;
	p2 =	slt.u32 s8, $0xFFFFF086  }
0x1c: {  	p1 =	slt.u32 s9, $0xF7A;
	s5 =	simm.s32 @!p2 $0x0  }
0x1d: {  	s5 =	simm.s32 @p1 $0x1;
	p0 =	seq.s32 s7, s2  }
0x1e: {  	s7 =	smul.u32 @!p0 $0xF7A, s2;
	p2 =	seq.s32 @!p0 s5, $0x0  }
0x1f: {  	s9 =	smul.u32 $0xF7A, s1;
	s8 =	simm.s32 @!p0 $0x1BF5;
	p2 =	por !p2, p0  }
0x20: {  	[sflag:s8] =	ssyncset.s32 @!p0 $0xFFFFF086;
	s6 =	sadd.s32 @!p0 s3, s7;
	s7 =	simm.s32 @!p0 $0x108  }
0x21: {  	s3 =	sadd.s32 s3, s9;
	s6 =	sadd.s32 @!p0 $0x88, s6;
	s7 =	simm.s32 @p2 $0x1082  }
0x22: {  	[simem:s7], [sflag:s8] =	dma.local @!p0 [hbm:s6], $0xF7A  }
0x23: {  	s9 =	sor.u32 $0xD0000000, s2;
	s6 =	simm.s32 $0x108;
	_ =	swait.ge @!p0 [sflag:s8], $0x0  }
0x24: {  	s3 =	sadd.s32 $0x88, s3;
	s6 =	simm.s32 @!p1 $0x1082;
	[sflag:s4] =	ssyncset.s32 $0xFFFFF086  }
0x25: {  	[simem:s6], [sflag:s4] =	dma.local [hbm:s3], $0xF7A  }
0x26: {  	[smem:$0x3F9B] =	sst s1;
	(tag) =	ssettag s2;
	_ =	strace s9  }
0x27: {  	s1 =	sld [smem:$0x3FAB]  }
0x28: {  	s2 =	sld [smem:$0x3FAC]  }
0x29: {  	s4 =	sld [smem:$0x3FAE]  }
0x2a: {  	p0 =	seq.s32 s5, $0x0;
	s5 =	sld [smem:$0x3FAF]  }
0x2b: {  	s6 =	sld [smem:$0x3FB0]  }
0x2c: {  	s7 =	sld [smem:$0x3FB1]  }
0x2d: {  	s3 =	simm.s32 $0x108;
	s8 =	sld [smem:$0x3FB2]  }
0x2e: {  	s3 =	simm.s32 @!p0 $0x1082;
	s9 =	sld [smem:$0x3FB3]  }
0x2f: {  	lr =	sadd.s32 s0, s3;
	s0 =	sld [smem:$0x3FAA]  }
0x30: {  	s3 =	sld [smem:$0x3FAD]  }
0x31: {  	[smem:$0x3FB6] =	sst s10  }
0x32: {  	s10 =	sld [smem:$0x3FB4];
	_ =	sdelay $0x3  }
0x33: {  	p0 =	seq.s32 s10, $0x1;
	s10 =	sld [smem:$0x3FB6];
	_ =	sdelay $0x3  }
0x34: {  	[smem:$0x3FB6] =	sst s10  }
0x35: {  	s10 =	sld [smem:$0x3FB5];
	_ =	sdelay $0x3  }
0x36: {  	p1 =	seq.s32 s10, $0x1;
	s10 =	sld [smem:$0x3FB6];
	_ =	sdelay $0x3  }
0x37: {  	[smem:$0x3FB6] =	sst s10  }
0x38: {  	s10 =	sld [smem:$0x3FB7]  }
0x39: {  	_ = 	snop;
	(pc) =	sbr.ind lr, $3  }
0x3a: {  	_ = 	snop  }
0x3b: {  	_ = 	snop  }
0x3c: {  	p2 =	seq.s32 s10, $0x1;
	s10 =	sld [smem:$0x3FB6]  }
0x3d: {  	_ =	shalt  }
0x3e: {  	_ =	shalt  }
0x3f: {  	_ =	shalt  }
0x40: {  	_ =	shalt  }
0x41: {  	_ =	shalt  }
0x42: {  	_ =	shalt  }
0x43: {  	_ =	shalt  }
0x44: {  	_ =	shalt  }
0x45: {  	_ =	shalt  }
0x46: {  	_ =	shalt  }
0x47: {  	_ =	shalt  }
0x48: {  	_ =	shalt  }
0x49: {  	_ =	shalt  }
0x4a: {  	_ =	shalt  }
0x4b: {  	_ =	shalt  }
0x4c: {  	_ =	shalt  }
0x4d: {  	_ =	shalt  }
0x4e: {  	_ =	shalt  }
0x4f: {  	_ =	shalt  }
0x50: {  	_ =	shalt  }
0x51: {  	_ =	shalt  }
0x52: {  	_ =	shalt  }
0x53: {  	_ =	shalt  }
0x54: {  	_ =	shalt  }
0x55: {  	_ =	shalt  }
0x56: {  	_ =	shalt  }
0x57: {  	_ =	shalt  }
0x58: {  	_ =	shalt  }
0x59: {  	_ =	shalt  }
0x5a: {  	_ =	shalt  }
0x5b: {  	_ =	shalt  }
0x5c: {  	_ =	shalt  }
0x5d: {  	_ =	shalt  }
0x5e: {  	_ =	shalt  }
0x5f: {  	_ =	shalt  }
0x60: {  	_ =	shalt  }
0x61: {  	_ =	shalt  }
0x62: {  	_ =	shalt  }
0x63: {  	_ =	shalt  }
0x64: {  	_ =	shalt  }
0x65: {  	_ =	shalt  }
0x66: {  	_ =	shalt  }
0x67: {  	_ =	shalt  }
0x68: {  	_ =	shalt  }
0x69: {  	_ =	shalt  }
0x6a: {  	_ =	shalt  }
0x6b: {  	_ =	shalt  }
0x6c: {  	_ =	shalt  }
0x6d: {  	_ =	shalt  }
0x6e: {  	_ =	shalt  }
0x6f: {  	_ =	shalt  }
0x70: {  	_ =	shalt  }
0x71: {  	_ =	shalt  }
0x72: {  	_ =	shalt  }
0x73: {  	_ =	shalt  }
0x74: {  	_ =	shalt  }
0x75: {  	_ =	shalt  }
0x76: {  	_ =	shalt  }
0x77: {  	_ =	shalt  }
0x78: {  	_ =	shalt  }
0x79: {  	_ =	shalt  }
0x7a: {  	_ =	shalt  }
0x7b: {  	_ =	shalt  }
0x7c: {  	_ =	shalt  }
0x7d: {  	_ =	shalt  }
0x7e: {  	_ =	shalt  }
0x7f: {  	_ =	shalt  }
0x80: {  	_ =	shalt  }
0x81: {  	_ =	shalt  }
0x82: {  	_ =	shalt  }
0x83: {  	_ =	shalt  }
0x84: {  	_ =	shalt  }
0x85: {  	_ =	shalt  }
0x86: {  	_ =	shalt  }
0x87: {  	_ =	shalt  }
.Lfunc_end0:
.L_simem_size_0:
called_computation_lowered:
.L_overlay_start_0:
0x88: {  	s2 =	sld [smem:$0x3FD9]  }
0x89: {  	s3 =	sld [smem:$0x3FFE];
	_ =	sdelay $0x1  }
0x8a: {  	s1 =	srdreg.scid  }
0x8b: {  	s0 =	sand.u32 $0x1, s1  }
0x8c: {  	s14 =	sshll.u32 s0, $0xA;
	s2 =	sadd.s32 s3, s2  }
0x8d: {  	s2 =	sadd.s32 s2, s14  }
0x8e: {  	[smem:$0x3FC2] =	sst s2  }
0x8f: {  	_ = 	snop  }
0x90: {  	s2 =	sld [smem:$0x3FD0];
	_ =	sdelay $0x2  }
0x91: {  	s15 =	simm.s32 $0xA;
	s4 =	simm.s32 $0x10  }
0x92: {  	[smem:s4], [sflag:s15] =	dma.local [hbm:s2], $0x1  }
0x93: {  	_ =	swait.eq [sflag:s15], $0x1  }
0x94: {  	[sflag:s15] =	ssyncset.done $0x0  }
0x95: {  	[sflag:s15] =	ssyncadd.s32 $0xFFFFFFFF  }
0x96: {  	s16 =	sld [smem:$0x10];
	(tm) =	ssettm $0x1  }
0x97: {  	s17 =	sld [smem:$0x3FFB];
	_ =	sdelay $0x3  }
0x98: {  	_ =	strace s17  }
0x99: {  	s3 =	sld [smem:$0x3FFC];
	_ =	sdelay $0x3  }
0x9a: {  	_ =	strace s3  }
0x9b: {  	s3 =	sld [smem:$0x3FFD];
	_ =	sdelay $0x3  }
0x9c: {  	_ =	strace s3  }
0x9d: {  	_ =	strace $0x8FFFFFFF  }
0x9e: {  	s18 =	sld [smem:$0x3FDB];
	_ =	sdelay $0x1  }
0x9f: {  	s19 =	simm.s32 $_scs_section_size  }
0xa0: {  	s5 =	simm.s32 $_size__tile_overlayer_lowered;
	s6 =	simm.s32 $_tile_overlayer_lowered  }
0xa1: {  	s22 =	simm.s32 $0x1BFF;
	s21 =	sshll.u32 s6, $0x1;
	s3 =	sadd.s32 s19, s18  }
0xa2: {  	s7 =	simm.s32 $0x0;
	s20 =	sshll.u32 s5, $0x1;
	s5 =	sadd.s32 s21, s3  }
0xa3: {  	[timem:s7], [sflag:s22] =	dma.local [hbm:s5], s20  }
0xa4: {  	_ =	swait.ge [sflag:s22], s20  }
0xa5: {  	s4 =	ssub.s32 $0x0, s20;
	[sflag:s22] =	ssyncset.done $0x0  }
0xa6: {  	[sflag:s22] =	ssyncadd.s32 s4;
	_ =	sdelay $0x1  }
0xa7: {  	s23 =	simm.s32 $0x1B8B  }
0xa8: {  	_ =	swait.ge [sflag:s23], $0x1  }
0xa9: {  	[sflag:s23] =	ssyncset.done $0x0  }
0xaa: {  	s25 =	simm.s32 $0x1B8E;
	s24 =	sld [smem:$0x3FFE];
	[sflag:s23] =	ssyncadd.s32 $0xFFFFFFFF  }
0xab: {  	s26 =	simm.s32 $execute0_lowered;
	[smem:$0x3FD2] =	sst s25  }
0xac: {  	s5 =	sshll.u32 s26, $0x1;
	_ =	strace $0x80000046;
	[dreg:$0x1] =	wrdreg $0xFFFFFFFF  }
0xad: {  	s28 =	simm.s32 $_size_execute0_lowered;
	s3 =	sadd.s32 s3, s5;
	[dreg:$0x0] =	wrdreg $0x0  }
0xae: {  	s5 =	sshll.u32 s28, $0x1;
	[dreg:$0x2] =	wrdreg s3  }
0xaf: {  	[dreg:$0x3] =	wrdreg s5  }
0xb0: {  	[dreg:$0x4] =	wrdreg $0xC0  }
0xb1: {  	_ =	task [dreg:s7], $0x5FFFF  }
0xb2: {  	[dreg:$0x1] =	wrdreg $0xFFFFFFFF  }
0xb3: {  	[dreg:$0x0] =	wrdreg $0x60  }
0xb4: {  	[dreg:$0x2] =	wrdreg s16  }
0xb5: {  	[dreg:$0x3] =	wrdreg s24  }
0xb6: {  	[dreg:$0x4] =	wrdreg $0x9  }
0xb7: {  	_ =	task.clear_ibuf [dreg:s7], $0x5FFFF;
	_ =	strace $0x90000046  }
0xb8: {  	s29 =	simm.s32 $0x9;
	_ =	strace $0x80000048  }
0xb9: {  	_ =	swait.ge [sflag:s29], $0x1  }
0xba: {  	[sflag:s29] =	ssyncadd.s32 $0xFFFFFFFF  }
0xbb: {  	_ =	strace $0x90000048  }
0xbc: {  	_ =	sfence  }
0xbd: {  	s30 =	sld [smem:$0x0];
	_ =	sdelay $0x2  }
0xbe: {  	s31 =	sshll.u32 s1, $0xD;
	s1 =	sshrl.u32 s1, $0x2  }
0xbf: {  	s3 =	sand.u32 $0x4000, s31;
	s1 =	sadd.s32 s1, s30  }
0xc0: {  	s0 =	sor.u32 s3, s0;
	s1 =	sshll.u32 s1, $0x11  }
0xc1: {  	s0 =	sor.u32 s1, s0  }
0xc2: {  	s0 =	sadd.s32 $0x8F2B, s0  }
0xc3: {  	[sflag:s0] =	ssyncadd.remote.s32 $0x1  }
0xc4: {  	_ =	sfence.sel $0xFFFF  }
0xc5: {  	[dreg:$0x0] =	wrdreg $0xFFFFFFFF;
	(pc) =	sbr.abs _section_cstart, $3  }
0xc6: {  	[dreg:$0x1] =	wrdreg $0xFFFFFFFF  }
0xc7: {  	_ =	task.clear_ibuf [dreg:s7], $0x2FFFF;
	_ =	strace $0x9FFFFFFF  }
0xc8: {  	(tm) =	ssettm $0x7FFFFFFF  }
0xc9: {  	_ =	shalt  }
tec
execute0_lowered:
.L_overlay_start_1:
0x0: {  	(tag) =	ssettag $0x1  }
0x1: {  	s1 =	srdreg.scid  }
0x2: {  	s0 =	stileid.u32;
	s6 =	rddreg [dreg:$0x0]  }
0x3: {  	s3 =	rddreg [dreg:$0x1];
	s8 =	simm.s32 $0x80;
	s9 =	simm.s32 $0x2600  }
0x4: {  	s10 =	simm.s32 $0x100;
	s11 =	simm.s32 $0x4600;
	s12 =	simm.s32 $0x180  }
0x5: {  	s13 =	simm.s32 $0x6600;
	s14 =	simm.s32 $0x200;
	s15 =	simm.s32 $0x8600  }
0x6: {  	s16 =	simm.s32 $0x280;
	s17 =	simm.s32 $0xA600;
	s18 =	simm.s32 $0x300  }
0x7: {  	s19 =	simm.s32 $0xC600;
	s20 =	simm.s32 $0x380;
	s21 =	simm.s32 $0xE600  }
0x8: {  	s22 =	simm.s32 $0x400;
	s1 =	sand.u32 $0x1, s1;
	s2 =	sshll.u32 s0, $0x1  }
0x9: {  	s23 =	simm.s32 $0x10600;
	s4 =	sor.u32 s1, s2;
	s1 =	ssub.s32 $0x2, s1  }
0xa: {  	s24 =	simm.s32 $0x480;
	s25 =	simm.s32 $0x12600;
	s26 =	sshrl.u32 s1, $0x1  }
0xb: {  	p0 =	por $0x0, $0x0;
	s28 =	simm.s32 $0x14600;
	s1 =	ssub.s32 s1, s26  }
0xc: {  	s29 =	simm.s32 $0x580;
	s5 =	smul.u32 $0xC0, s4;
	s1 =	smax.u32 s1, $0x1  }
0xd: {  	s2 =	simm.s32 $0x0;
	s4 =	smul.u32 $0x3000, s4;
	p1 =	sne.s32 s1, $0x1  }
.Ltmp0:
0xe: {  	s30 =	simm.s32 $0x16600;
	[smem:$0x7FF] =	sst s2;
	(pc) =	sbr.rel @!p1 .LBB2_3-.Ltmp0, $4  }
0xf: {  	s7 =	simm.s32 $0x1;
	_ =	strace $0x80000047;
	s5 =	sadd.s32 s5, s3  }
0x10: {  	s26 =	simm.s32 $0x500;
	s3 =	sadd.s32 s4, s3;
	s5 =	sadd.s32 $0x121600, s5  }
0x11: {  	s4 =	sadd.s32 $0x122E00, s3;
	s3 =	simm.s32 $0x2;
	[dreg:$0x3] =	wrdreg s5  }
0x12: {  	s31 =	sadd.s32 $0xFFFFFFFF, s1;
	s5 =	simm.s32 $0x600;
	s1 =	rddreg [dreg:$0x3]  }
0x13: {  	[tilespmem:s2], [sflag:$0x2] =	stream.linear.gather [hbm4b:s1+s2], $0x600, $0x38;
	[tilespmem:$0x18600] =	vst v63  }
0x14: {  	_ =	swait.ge [sflag:s3], $0x600  }
0x15: {  	[sflag:s3] =	ssyncset.done $0x0  }
0x16: {  	[sflag:s3] =	ssyncadd.s32 $0xFFFFFA00  }
0x17: {  	[tilespmem:s5], [sflag:$0x1] =	stream.indirect.gather [hbm4b:s6+s8], $0x40, s2, s8, $0xb8;
	[tilespmem:$0x18600] =	vst v63  }
0x18: {  	_ = 	snop  }
0x19: {  	[tilespmem:s9], [sflag:$0x1] =	stream.indirect.gather [hbm4b:s6+s8], $0x40, s8, s8, $0xb8;
	[tilespmem:$0x18600] =	vst v63  }
0x1a: {  	_ = 	snop  }
0x1b: {  	[tilespmem:s11], [sflag:$0x1] =	stream.indirect.gather [hbm4b:s6+s8], $0x40, s10, s8, $0xb8;
	[tilespmem:$0x18600] =	vst v63  }
0x1c: {  	_ = 	snop  }
0x1d: {  	[tilespmem:s13], [sflag:$0x1] =	stream.indirect.gather [hbm4b:s6+s8], $0x40, s12, s8, $0xb8;
	[tilespmem:$0x18600] =	vst v63  }
0x1e: {  	_ = 	snop  }
0x1f: {  	[tilespmem:s15], [sflag:$0x1] =	stream.indirect.gather [hbm4b:s6+s8], $0x40, s14, s8, $0xb8;
	[tilespmem:$0x18600] =	vst v63  }
0x20: {  	_ = 	snop  }
0x21: {  	[tilespmem:s17], [sflag:$0x1] =	stream.indirect.gather [hbm4b:s6+s8], $0x40, s16, s8, $0xb8;
	[tilespmem:$0x18600] =	vst v63  }
0x22: {  	_ = 	snop  }
0x23: {  	[tilespmem:s19], [sflag:$0x1] =	stream.indirect.gather [hbm4b:s6+s8], $0x40, s18, s8, $0xb8;
	[tilespmem:$0x18600] =	vst v63  }
0x24: {  	_ = 	snop  }
0x25: {  	[tilespmem:s21], [sflag:$0x1] =	stream.indirect.gather [hbm4b:s6+s8], $0x40, s20, s8, $0xb8;
	[tilespmem:$0x18600] =	vst v63  }
0x26: {  	_ = 	snop  }
0x27: {  	[tilespmem:s23], [sflag:$0x1] =	stream.indirect.gather [hbm4b:s6+s8], $0x40, s22, s8, $0xb8;
	[tilespmem:$0x18600] =	vst v63  }
0x28: {  	_ = 	snop  }
0x29: {  	[tilespmem:s25], [sflag:$0x1] =	stream.indirect.gather [hbm4b:s6+s8], $0x40, s24, s8, $0xb8;
	[tilespmem:$0x18600] =	vst v63  }
0x2a: {  	_ = 	snop  }
0x2b: {  	[tilespmem:s28], [sflag:$0x1] =	stream.indirect.gather [hbm4b:s6+s8], $0x40, s26, s8, $0xb8;
	[tilespmem:$0x18600] =	vst v63  }
0x2c: {  	_ = 	snop  }
0x2d: {  	[tilespmem:s30], [sflag:$0x1] =	stream.indirect.gather [hbm4b:s6+s8], $0x40, s29, s8, $0xb8;
	[tilespmem:$0x18600] =	vst v63  }
0x2e: {  	_ =	swait.ge [sflag:s7], $0x2000  }
0x2f: {  	[sflag:s7] =	ssyncset.done $0x0  }
0x30: {  	[sflag:s7] =	ssyncadd.s32 $0xFFFFE000  }
0x31: {  	_ =	swait.ge [sflag:s7], $0x2000  }
0x32: {  	[sflag:s7] =	ssyncset.done $0x0  }
0x33: {  	[sflag:s7] =	ssyncadd.s32 $0xFFFFE000  }
0x34: {  	_ =	swait.ge [sflag:s7], $0x2000  }
0x35: {  	[sflag:s7] =	ssyncset.done $0x0  }
0x36: {  	[sflag:s7] =	ssyncadd.s32 $0xFFFFE000  }
0x37: {  	_ =	swait.ge [sflag:s7], $0x2000  }
0x38: {  	[sflag:s7] =	ssyncset.done $0x0  }
0x39: {  	[sflag:s7] =	ssyncadd.s32 $0xFFFFE000  }
0x3a: {  	_ =	swait.ge [sflag:s7], $0x2000  }
0x3b: {  	[sflag:s7] =	ssyncset.done $0x0  }
0x3c: {  	[sflag:s7] =	ssyncadd.s32 $0xFFFFE000  }
0x3d: {  	_ =	swait.ge [sflag:s7], $0x2000  }
0x3e: {  	[sflag:s7] =	ssyncset.done $0x0  }
0x3f: {  	[sflag:s7] =	ssyncadd.s32 $0xFFFFE000  }
0x40: {  	_ =	swait.ge [sflag:s7], $0x2000  }
0x41: {  	[sflag:s7] =	ssyncset.done $0x0  }
0x42: {  	[sflag:s7] =	ssyncadd.s32 $0xFFFFE000  }
0x43: {  	_ =	swait.ge [sflag:s7], $0x2000  }
0x44: {  	[sflag:s7] =	ssyncset.done $0x0  }
0x45: {  	[sflag:s7] =	ssyncadd.s32 $0xFFFFE000  }
0x46: {  	_ =	swait.ge [sflag:s7], $0x2000  }
0x47: {  	[sflag:s7] =	ssyncset.done $0x0  }
0x48: {  	[sflag:s7] =	ssyncadd.s32 $0xFFFFE000  }
0x49: {  	_ =	swait.ge [sflag:s7], $0x2000  }
0x4a: {  	[sflag:s7] =	ssyncset.done $0x0  }
0x4b: {  	[sflag:s7] =	ssyncadd.s32 $0xFFFFE000  }
0x4c: {  	_ =	swait.ge [sflag:s7], $0x2000  }
0x4d: {  	[sflag:s7] =	ssyncset.done $0x0  }
0x4e: {  	[sflag:s7] =	ssyncadd.s32 $0xFFFFE000  }
0x4f: {  	p1 =	sne.s32 s31, $0x1;
	_ =	swait.ge [sflag:s7], $0x2000  }
.Ltmp1:
0x50: {  	[sflag:s7] =	ssyncset.done $0x0;
	(pc) =	sbr.rel @!p1 .LBB2_3-.Ltmp1, $4  }
0x51: {  	[sflag:s7] =	ssyncadd.s32 $0xFFFFE000  }
0x52: {  	[hbm4b:s4+s2] =	stream.linear.scatter [tilespmem:s5], [sflag:$0x2], $0x18000, $0x38;
	[tilespmem:$0x18600] =	vst v63  }
0x53: {  	s31 =	sadd.s32 $0xFFFFFFFF, s31;
	_ =	swait.ge [sflag:s3], $0x18000  }
0x54: {  	p0 =	por $0x1, $0x1;
	s1 =	rddreg [dreg:$0x3];
	[sflag:s3] =	ssyncset.done $0x0  }
.LBB2_2:
0x55: {  	[sflag:s3] =	ssyncadd.s32 $0xFFFE8000  }
0x56: {  	[tilespmem:s2], [sflag:$0x2] =	stream.linear.gather [hbm4b:s1+s2], $0x600, $0x38;
	[tilespmem:$0x18600] =	vst v63  }
0x57: {  	_ =	swait.ge [sflag:s3], $0x600  }
0x58: {  	[sflag:s3] =	ssyncset.done $0x0  }
0x59: {  	[sflag:s3] =	ssyncadd.s32 $0xFFFFFA00  }
0x5a: {  	[tilespmem:s5], [sflag:$0x1] =	stream.indirect.gather [hbm4b:s6+s8], $0x40, s2, s8, $0xb8;
	[tilespmem:$0x18600] =	vst v63  }
0x5b: {  	_ = 	snop  }
0x5c: {  	[tilespmem:s9], [sflag:$0x1] =	stream.indirect.gather [hbm4b:s6+s8], $0x40, s8, s8, $0xb8;
	[tilespmem:$0x18600] =	vst v63  }
0x5d: {  	_ = 	snop  }
0x5e: {  	[tilespmem:s11], [sflag:$0x1] =	stream.indirect.gather [hbm4b:s6+s8], $0x40, s10, s8, $0xb8;
	[tilespmem:$0x18600] =	vst v63  }
0x5f: {  	_ = 	snop  }
0x60: {  	[tilespmem:s13], [sflag:$0x1] =	stream.indirect.gather [hbm4b:s6+s8], $0x40, s12, s8, $0xb8;
	[tilespmem:$0x18600] =	vst v63  }
0x61: {  	_ = 	snop  }
0x62: {  	[tilespmem:s15], [sflag:$0x1] =	stream.indirect.gather [hbm4b:s6+s8], $0x40, s14, s8, $0xb8;
	[tilespmem:$0x18600] =	vst v63  }
0x63: {  	_ = 	snop  }
0x64: {  	[tilespmem:s17], [sflag:$0x1] =	stream.indirect.gather [hbm4b:s6+s8], $0x40, s16, s8, $0xb8;
	[tilespmem:$0x18600] =	vst v63  }
0x65: {  	_ = 	snop  }
0x66: {  	[tilespmem:s19], [sflag:$0x1] =	stream.indirect.gather [hbm4b:s6+s8], $0x40, s18, s8, $0xb8;
	[tilespmem:$0x18600] =	vst v63  }
0x67: {  	_ = 	snop  }
0x68: {  	[tilespmem:s21], [sflag:$0x1] =	stream.indirect.gather [hbm4b:s6+s8], $0x40, s20, s8, $0xb8;
	[tilespmem:$0x18600] =	vst v63  }
0x69: {  	_ = 	snop  }
0x6a: {  	[tilespmem:s23], [sflag:$0x1] =	stream.indirect.gather [hbm4b:s6+s8], $0x40, s22, s8, $0xb8;
	[tilespmem:$0x18600] =	vst v63  }
0x6b: {  	_ = 	snop  }
0x6c: {  	[tilespmem:s25], [sflag:$0x1] =	stream.indirect.gather [hbm4b:s6+s8], $0x40, s24, s8, $0xb8;
	[tilespmem:$0x18600] =	vst v63  }
0x6d: {  	_ = 	snop  }
0x6e: {  	[tilespmem:s28], [sflag:$0x1] =	stream.indirect.gather [hbm4b:s6+s8], $0x40, s26, s8, $0xb8;
	[tilespmem:$0x18600] =	vst v63  }
0x6f: {  	_ = 	snop  }
0x70: {  	[tilespmem:s30], [sflag:$0x1] =	stream.indirect.gather [hbm4b:s6+s8], $0x40, s29, s8, $0xb8;
	[tilespmem:$0x18600] =	vst v63  }
0x71: {  	_ =	swait.ge [sflag:s7], $0x2000  }
0x72: {  	[sflag:s7] =	ssyncset.done $0x0  }
0x73: {  	[sflag:s7] =	ssyncadd.s32 $0xFFFFE000  }
0x74: {  	_ =	swait.ge [sflag:s7], $0x2000  }
0x75: {  	[sflag:s7] =	ssyncset.done $0x0  }
0x76: {  	[sflag:s7] =	ssyncadd.s32 $0xFFFFE000  }
0x77: {  	_ =	swait.ge [sflag:s7], $0x2000  }
0x78: {  	[sflag:s7] =	ssyncset.done $0x0  }
0x79: {  	[sflag:s7] =	ssyncadd.s32 $0xFFFFE000  }
0x7a: {  	_ =	swait.ge [sflag:s7], $0x2000  }
0x7b: {  	[sflag:s7] =	ssyncset.done $0x0  }
0x7c: {  	[sflag:s7] =	ssyncadd.s32 $0xFFFFE000  }
0x7d: {  	_ =	swait.ge [sflag:s7], $0x2000  }
0x7e: {  	[sflag:s7] =	ssyncset.done $0x0  }
0x7f: {  	[sflag:s7] =	ssyncadd.s32 $0xFFFFE000  }
0x80: {  	_ =	swait.ge [sflag:s7], $0x2000  }
0x81: {  	[sflag:s7] =	ssyncset.done $0x0  }
0x82: {  	[sflag:s7] =	ssyncadd.s32 $0xFFFFE000  }
0x83: {  	_ =	swait.ge [sflag:s7], $0x2000  }
0x84: {  	[sflag:s7] =	ssyncset.done $0x0  }
0x85: {  	[sflag:s7] =	ssyncadd.s32 $0xFFFFE000  }
0x86: {  	_ =	swait.ge [sflag:s7], $0x2000  }
0x87: {  	[sflag:s7] =	ssyncset.done $0x0  }
0x88: {  	[sflag:s7] =	ssyncadd.s32 $0xFFFFE000  }
0x89: {  	_ =	swait.ge [sflag:s7], $0x2000  }
0x8a: {  	[sflag:s7] =	ssyncset.done $0x0  }
0x8b: {  	[sflag:s7] =	ssyncadd.s32 $0xFFFFE000  }
0x8c: {  	_ =	swait.ge [sflag:s7], $0x2000  }
0x8d: {  	[sflag:s7] =	ssyncset.done $0x0  }
0x8e: {  	[sflag:s7] =	ssyncadd.s32 $0xFFFFE000  }
0x8f: {  	_ =	swait.ge [sflag:s7], $0x2000  }
0x90: {  	[sflag:s7] =	ssyncset.done $0x0  }
0x91: {  	[sflag:s7] =	ssyncadd.s32 $0xFFFFE000  }
0x92: {  	p1 =	sne.s32 s31, $0x1;
	_ =	swait.ge [sflag:s7], $0x2000  }
.Ltmp2:
0x93: {  	[sflag:s7] =	ssyncset.done $0x0;
	(pc) =	sbr.rel @p1 .LBB2_2-.Ltmp2, $4  }
0x94: {  	[sflag:s7] =	ssyncadd.s32 $0xFFFFE000  }
0x95: {  	[hbm4b:s4+s2] =	stream.linear.scatter [tilespmem:s5], [sflag:$0x2], $0x18000, $0x38;
	[tilespmem:$0x18600] =	vst v63  }
0x96: {  	_ =	swait.ge [sflag:s3], $0x18000  }
0x97: {  	s31 =	sadd.s32 $0xFFFFFFFF, s31;
	s1 =	rddreg [dreg:$0x3];
	[sflag:s3] =	ssyncset.done $0x0  }
.LBB2_3:
0x98: {  	[sflag:s3] =	ssyncadd.s32 @p0 $0xFFFE8000  }
0x99: {  	[tilespmem:s2], [sflag:$0x2] =	stream.linear.gather [hbm4b:s1+s2], $0x600, $0x38;
	[tilespmem:$0x18600] =	vst v63  }
0x9a: {  	_ =	swait.ge [sflag:s3], $0x600  }
0x9b: {  	[sflag:s3] =	ssyncset.done $0x0  }
0x9c: {  	[sflag:s3] =	ssyncadd.s32 $0xFFFFFA00  }
0x9d: {  	[tilespmem:s5], [sflag:$0x1] =	stream.indirect.gather [hbm4b:s6+s8], $0x40, s2, s8, $0xb8;
	[tilespmem:$0x18600] =	vst v63  }
0x9e: {  	_ = 	snop  }
0x9f: {  	[tilespmem:s9], [sflag:$0x1] =	stream.indirect.gather [hbm4b:s6+s8], $0x40, s8, s8, $0xb8;
	[tilespmem:$0x18600] =	vst v63  }
0xa0: {  	_ = 	snop  }
0xa1: {  	[tilespmem:s11], [sflag:$0x1] =	stream.indirect.gather [hbm4b:s6+s8], $0x40, s10, s8, $0xb8;
	[tilespmem:$0x18600] =	vst v63  }
0xa2: {  	_ = 	snop  }
0xa3: {  	[tilespmem:s13], [sflag:$0x1] =	stream.indirect.gather [hbm4b:s6+s8], $0x40, s12, s8, $0xb8;
	[tilespmem:$0x18600] =	vst v63  }
0xa4: {  	_ = 	snop  }
0xa5: {  	[tilespmem:s15], [sflag:$0x1] =	stream.indirect.gather [hbm4b:s6+s8], $0x40, s14, s8, $0xb8;
	[tilespmem:$0x18600] =	vst v63  }
0xa6: {  	_ = 	snop  }
0xa7: {  	[tilespmem:s17], [sflag:$0x1] =	stream.indirect.gather [hbm4b:s6+s8], $0x40, s16, s8, $0xb8;
	[tilespmem:$0x18600] =	vst v63  }
0xa8: {  	_ = 	snop  }
0xa9: {  	[tilespmem:s19], [sflag:$0x1] =	stream.indirect.gather [hbm4b:s6+s8], $0x40, s18, s8, $0xb8;
	[tilespmem:$0x18600] =	vst v63  }
0xaa: {  	_ = 	snop  }
0xab: {  	[tilespmem:s21], [sflag:$0x1] =	stream.indirect.gather [hbm4b:s6+s8], $0x40, s20, s8, $0xb8;
	[tilespmem:$0x18600] =	vst v63  }
0xac: {  	_ = 	snop  }
0xad: {  	[tilespmem:s23], [sflag:$0x1] =	stream.indirect.gather [hbm4b:s6+s8], $0x40, s22, s8, $0xb8;
	[tilespmem:$0x18600] =	vst v63  }
0xae: {  	_ = 	snop  }
0xaf: {  	[tilespmem:s25], [sflag:$0x1] =	stream.indirect.gather [hbm4b:s6+s8], $0x40, s24, s8, $0xb8;
	[tilespmem:$0x18600] =	vst v63  }
0xb0: {  	_ = 	snop  }
0xb1: {  	[tilespmem:s28], [sflag:$0x1] =	stream.indirect.gather [hbm4b:s6+s8], $0x40, s26, s8, $0xb8;
	[tilespmem:$0x18600] =	vst v63  }
0xb2: {  	_ = 	snop  }
0xb3: {  	[tilespmem:s30], [sflag:$0x1] =	stream.indirect.gather [hbm4b:s6+s8], $0x40, s29, s8, $0xb8;
	[tilespmem:$0x18600] =	vst v63  }
0xb4: {  	_ =	swait.ge [sflag:s7], $0x2000  }
0xb5: {  	[sflag:s7] =	ssyncset.done $0x0  }
0xb6: {  	[sflag:s7] =	ssyncadd.s32 $0xFFFFE000  }
0xb7: {  	_ =	swait.ge [sflag:s7], $0x2000  }
0xb8: {  	[sflag:s7] =	ssyncset.done $0x0  }
0xb9: {  	[sflag:s7] =	ssyncadd.s32 $0xFFFFE000  }
0xba: {  	_ =	swait.ge [sflag:s7], $0x2000  }
0xbb: {  	[sflag:s7] =	ssyncset.done $0x0  }
0xbc: {  	[sflag:s7] =	ssyncadd.s32 $0xFFFFE000  }
0xbd: {  	_ =	swait.ge [sflag:s7], $0x2000  }
0xbe: {  	[sflag:s7] =	ssyncset.done $0x0  }
0xbf: {  	[sflag:s7] =	ssyncadd.s32 $0xFFFFE000  }
0xc0: {  	_ =	swait.ge [sflag:s7], $0x2000  }
0xc1: {  	[sflag:s7] =	ssyncset.done $0x0  }
0xc2: {  	[sflag:s7] =	ssyncadd.s32 $0xFFFFE000  }
0xc3: {  	_ =	swait.ge [sflag:s7], $0x2000  }
0xc4: {  	[sflag:s7] =	ssyncset.done $0x0  }
0xc5: {  	[sflag:s7] =	ssyncadd.s32 $0xFFFFE000  }
0xc6: {  	_ =	swait.ge [sflag:s7], $0x2000  }
0xc7: {  	[sflag:s7] =	ssyncset.done $0x0  }
0xc8: {  	[sflag:s7] =	ssyncadd.s32 $0xFFFFE000  }
0xc9: {  	_ =	swait.ge [sflag:s7], $0x2000  }
0xca: {  	[sflag:s7] =	ssyncset.done $0x0  }
0xcb: {  	[sflag:s7] =	ssyncadd.s32 $0xFFFFE000  }
0xcc: {  	_ =	swait.ge [sflag:s7], $0x2000  }
0xcd: {  	[sflag:s7] =	ssyncset.done $0x0  }
0xce: {  	[sflag:s7] =	ssyncadd.s32 $0xFFFFE000  }
0xcf: {  	_ =	swait.ge [sflag:s7], $0x2000  }
0xd0: {  	[sflag:s7] =	ssyncset.done $0x0  }
0xd1: {  	[sflag:s7] =	ssyncadd.s32 $0xFFFFE000  }
0xd2: {  	_ =	swait.ge [sflag:s7], $0x2000  }
0xd3: {  	[sflag:s7] =	ssyncset.done $0x0  }
0xd4: {  	[sflag:s7] =	ssyncadd.s32 $0xFFFFE000  }
0xd5: {  	_ =	swait.ge [sflag:s7], $0x2000  }
0xd6: {  	[sflag:s7] =	ssyncset.done $0x0  }
0xd7: {  	[sflag:s7] =	ssyncadd.s32 $0xFFFFE000  }
0xd8: {  	[hbm4b:s4+s2] =	stream.linear.scatter [tilespmem:s5], [sflag:$0x2], $0x18000, $0x38;
	[tilespmem:$0x18600] =	vst v63  }
0xd9: {  	_ =	swait.ge [sflag:s3], $0x18000  }
0xda: {  	[sflag:s3] =	ssyncset.done $0x0  }
0xdb: {  	[sflag:s3] =	ssyncadd.s32 $0xFFFE8000  }
0xdc: {  	_ =	sfence.sel $0x180000  }
0xdd: {  	[bflag:$0x0] =	sbarrier.arrive $0xFFFF  }
0xde: {  	_ =	strace $0x90000047  }
0xdf: {  	[bflag:$0x2] =	sbarrier.arrive $0xFFFF  }
0xe0: {  	p0 =	sne.s32 s0, $0x0;
	s0 =	rddreg [dreg:$0x2]  }
0xe1: {  	s0 =	sadd.s32 @!p0 $0x100000, s0  }
0xe2: {  	[sflag:s0] =	ssyncadd.tile.s32 @!p0 $0x1;
	_ =	shalt  }
.Lfunc_end2:
_tile_overlayer_lowered:
.L_overlay_start_2:
0xe3: {  	(tag) =	ssettag $0x2  }
0xe4: {  	s0 =	rddreg [dreg:$0x0];
	s2 =	stileid.u32  }
0xe5: {  	s1 =	rddreg [dreg:$0x1];
	p0 =	sne.s32 s2, $0x0  }
0xe6: {  	s3 =	rddreg [dreg:$0x2];
	[bflag:$0x3] =	sbarrier.arrive $0xFFFF;
	s2 =	simm.s32 @!p0 $0x1C02  }
0xe7: {  	[timem:s3], [sflag:s2] =	dma.local @!p0 [hbm:s0], s1  }
0xe8: {  	s0 =	simm.s32 @!p0 $0x2  }
0xe9: {  	_ =	swait.ge @!p0 [sflag:s0], s1  }
0xea: {  	s1 =	ssub.s32 @!p0 $0x0, s1;
	[sflag:s0] =	ssyncset.done @!p0 $0x0  }
0xeb: {  	[sflag:s0] =	ssyncadd.s32 @!p0 s1  }
0xec: {  	[bflag:$0x3] =	sbarrier.arrive $0xFFFF  }
0xed: {  	_ =	shalt  }

</sc_bundles>
